<compile_context>
chip_gen: v7x
topology: tpu7x:2x2x1
jax: 0.10.2.dev20260603
libtpu: 0.0.44.dev20260713+nightly
codegen_flags: <defaults>
</compile_context>

<pallas_src>
import functools

import jax
import jax.numpy as jnp
from jax import lax
from jax.experimental import pallas as pl
from jax.experimental.pallas import tpu as pltpu
from jax.experimental.pallas import tpu_sc as plsc

N = 2048
D = 768
H = 768
G = 2
M = 4
NE = G * M
SPLIT = 8
ROWS = N // SPLIT
NEG = -1e30

_NC, _NS, _L = 2, 16, 16
_NW = _NC * _NS
TOK_W = N // _NW
NGRP = TOK_W // _L


def _logits_body(x_ref, wg_ref, lg_ref, xb_ref):
    xb = x_ref[...].astype(jnp.bfloat16)
    xb_ref[...] = xb
    lg_ref[...] = jnp.dot(xb, wg_ref[...],
                          preferred_element_type=jnp.float32)


def _router_sc_body(lgt_hbm, gates_hbm, lg_v, go_v):
    wid = lax.axis_index("s") * _NC + lax.axis_index("c")
    base = wid * TOK_W
    pltpu.sync_copy(lgt_hbm.at[wid], lg_v)
    for t in range(NGRP):
        cols = pl.ds(t * _L, _L)
        o0 = lg_v[0, cols]
        o1 = lg_v[1, cols]
        om = jnp.maximum(o0, o1)
        e0 = jnp.exp(o0 - om)
        e1 = jnp.exp(o1 - om)
        s = e0 + e1
        pouts = (e0 / s, e1 / s)
        for g in range(G):
            il = [lg_v[G + M * g + m, cols] for m in range(M)]
            v1 = jnp.maximum(jnp.maximum(il[0], il[1]),
                             jnp.maximum(il[2], il[3]))
            i1 = jnp.where(
                il[0] == v1, 0,
                jnp.where(il[1] == v1, 1, jnp.where(il[2] == v1, 2, 3)))
            il2 = [jnp.where(i1 == m, NEG, il[m]) for m in range(M)]
            v2 = jnp.maximum(jnp.maximum(il2[0], il2[1]),
                             jnp.maximum(il2[2], il2[3]))
            i2 = jnp.where(
                il2[0] == v2, 0,
                jnp.where(il2[1] == v2, 1, jnp.where(il2[2] == v2, 2, 3)))
            e2 = jnp.exp(v2 - v1)
            denom = 1.0 + e2
            p1 = 1.0 / denom
            p2 = e2 / denom
            for m in range(M):
                gm = (jnp.where(i1 == m, p1, 0.0)
                      + jnp.where(i2 == m, p2, 0.0)) * pouts[g]
                go_v[pl.ds((M * g + m) * TOK_W + t * _L, _L)] = gm
    pltpu.sync_copy(go_v, gates_hbm.at[pl.ds(base * NE, TOK_W * NE)])


_router_sc = functools.partial(
    pl.kernel,
    out_type=jax.ShapeDtypeStruct((N * NE,), jnp.float32),
    mesh=plsc.VectorSubcoreMesh(core_axis_name="c", subcore_axis_name="s"),
    scratch_types=[
        pltpu.VMEM((16, TOK_W), jnp.float32),
        pltpu.VMEM((NE * TOK_W,), jnp.float32),
    ],
)(_router_sc_body)


def _moe_body(xb_ref, gates_ref, w1_ref, w2_ref, out_ref, acc_ref, osem):
    e = pl.program_id(0)

    @pl.when(e == 0)
    def _():
        acc_ref[...] = jnp.zeros((N, D), jnp.float32)

    w1a = w1_ref[0].astype(jnp.bfloat16)
    w2a = w2_ref[0].astype(jnp.bfloat16)
    w1b = w1_ref[1].astype(jnp.bfloat16)
    w2b = w2_ref[1].astype(jnp.bfloat16)
    gall = gates_ref[...]
    lane = jax.lax.broadcasted_iota(jnp.int32, gall.shape, 1)
    gca = jnp.sum(jnp.where(lane == 2 * e, gall, 0.0), axis=1, keepdims=True)
    gcb = jnp.sum(jnp.where(lane == 2 * e + 1, gall, 0.0), axis=1,
                  keepdims=True)
    for s in range(SPLIT):
        rows = pl.ds(s * ROWS, ROWS)
        xs = xb_ref[rows, :]
        ha = jnp.dot(xs, w1a, preferred_element_type=jnp.float32)
        ha = jnp.maximum(ha, 0.0).astype(jnp.bfloat16)
        ya = jnp.dot(ha, w2a, preferred_element_type=jnp.float32)
        hb = jnp.dot(xs, w1b, preferred_element_type=jnp.float32)
        hb = jnp.maximum(hb, 0.0).astype(jnp.bfloat16)
        yb = jnp.dot(hb, w2b, preferred_element_type=jnp.float32)
        acc_ref[rows, :] += (gca[s * ROWS:(s + 1) * ROWS] * ya
                             + gcb[s * ROWS:(s + 1) * ROWS] * yb)

        @pl.when(e == NE // 2 - 1)
        def _(s=s):
            pltpu.make_async_copy(
                acc_ref.at[pl.ds(s * ROWS, ROWS), :],
                out_ref.at[pl.ds(s * ROWS, ROWS), :],
                osem.at[s]).start()

    @pl.when(e == NE // 2 - 1)
    def _():
        for s in range(SPLIT):
            pltpu.make_async_copy(
                acc_ref.at[pl.ds(s * ROWS, ROWS), :],
                out_ref.at[pl.ds(s * ROWS, ROWS), :],
                osem.at[s]).wait()


@jax.jit
def kernel(x, wg_outer, wg_inner, w1, b1, w2, b2):
    wg_cat = jnp.concatenate(
        [wg_outer] + [wg_inner[g] for g in range(G)], axis=1)
    wg_cat = jnp.pad(wg_cat, ((0, 0), (0, 16 - (G + G * M))))
    wg_cat = wg_cat.astype(jnp.bfloat16)
    w1r = w1.reshape(NE, D, H)
    w2r = w2.reshape(NE, H, D)

    lg, xb = pl.pallas_call(
        _logits_body,
        in_specs=[
            pl.BlockSpec((N, D), lambda: (0, 0)),
            pl.BlockSpec((D, 16), lambda: (0, 0)),
        ],
        out_specs=[
            pl.BlockSpec((N, 16), lambda: (0, 0)),
            pl.BlockSpec((N, D), lambda: (0, 0)),
        ],
        out_shape=[
            jax.ShapeDtypeStruct((N, 16), jnp.float32),
            jax.ShapeDtypeStruct((N, D), jnp.bfloat16),
        ],
    )(x, wg_cat)

    lgt3 = lg.reshape(_NW, TOK_W, 16).transpose(0, 2, 1)
    gates = (_router_sc(lgt3).reshape(_NW, NE, TOK_W)
             .transpose(0, 2, 1).reshape(N, NE))

    out = pl.pallas_call(
        _moe_body,
        grid=(NE // 2,),
        in_specs=[
            pl.BlockSpec((N, D), lambda e: (0, 0)),
            pl.BlockSpec((N, NE), lambda e: (0, 0)),
            pl.BlockSpec((2, D, H), lambda e: (e, 0, 0)),
            pl.BlockSpec((2, H, D), lambda e: (e, 0, 0)),
        ],
        out_specs=pl.BlockSpec(memory_space=pl.ANY),
        out_shape=jax.ShapeDtypeStruct((N, D), jnp.float32),
        scratch_shapes=[
            pltpu.VMEM((N, D), jnp.float32),
            pltpu.SemaphoreType.DMA((SPLIT,)),
        ],
        compiler_params=pltpu.CompilerParams(
            dimension_semantics=("arbitrary",),
        ),
    )(xb, gates, w1r, w2r)
    return out

# --- scband reference (transcript-rebuilt; emitter-appended) ---
"""Pipeline reference for scband-hierarchical-mo-e-91096256348839 (READ-ONLY COPY).

The authoritative reference and input builder live on the scoring server;
editing this copy changes nothing except your own understanding.
"""

import jax, jax.numpy as jnp
import numpy as np

N = 2048
D = 768
H = 768
G = 2   # outer groups
M = 4   # experts per group (total 8 experts)
TOPK_OUTER = 2
TOPK_INNER = 2


def _topk_softmax_gates(logits, k):
    # noisy_top_k_gating in eval mode: top-k logits -> softmax over top-k -> scatter back
    vals, idx = jax.lax.top_k(logits, k)
    sm = jax.nn.softmax(vals, axis=-1)
    rows = jnp.arange(logits.shape[0])[:, None]
    gates = jnp.zeros_like(logits).at[rows, idx].set(sm)
    return gates


def setup_inputs(seed: int = 0) -> dict:
    key = jax.random.key(seed)
    ks = jax.random.split(key, 8)
    x = jax.random.normal(ks[0], (N, D), dtype=jnp.float32)
    wg_outer = jax.random.normal(ks[1], (D, G), dtype=jnp.float32) * 0.02
    wg_inner = jax.random.normal(ks[2], (G, D, M), dtype=jnp.float32) * 0.02
    w1 = jax.random.normal(ks[3], (G, M, D, H), dtype=jnp.float32) * (1.0 / np.sqrt(D))
    b1 = jnp.zeros((G, M, H), dtype=jnp.float32)
    w2 = jax.random.normal(ks[4], (G, M, H, D), dtype=jnp.float32) * (1.0 / np.sqrt(H))
    b2 = jnp.zeros((G, M, D), dtype=jnp.float32)
    return {"x": x, "wg_outer": wg_outer, "wg_inner": wg_inner,
            "w1": w1, "b1": b1, "w2": w2, "b2": b2}


def reference(x, wg_outer, wg_inner, w1, b1, w2, b2):
    # Hierarchical MoE: outer top-k gating over groups, inner top-k gating over
    # experts in each group; combined gate = outer_gate * inner_gate.
    # Mathematically equivalent to SparseDispatcher dispatch/combine: tokens with
    # zero gate contribute zero.
    outer_gates = _topk_softmax_gates(x @ wg_outer, TOPK_OUTER)  # [N, G]
    out = jnp.zeros((N, D), dtype=x.dtype)
    for g in range(G):
        inner_gates = _topk_softmax_gates(x @ wg_inner[g], TOPK_INNER)  # [N, M]
        combined = outer_gates[:, g:g + 1] * inner_gates  # [N, M]
        for m in range(M):
            h = jax.nn.relu(x @ w1[g, m] + b1[g, m])  # expert_activation=ReLU
            y = h @ w2[g, m] + b2[g, m]
            out = out + combined[:, m:m + 1] * y
    return out

if __name__ == "__main__":
    import jax
    _d = setup_inputs()
    print(jax.jit(kernel)(*tuple(_d.values())))

</pallas_src>

<mosaic_0001>
#map = affine_map<(d0, d1) -> (0, 0, 0)>
#map1 = affine_map<(d0, d1) -> (0)>
module attributes {stable_mosaic.version = 14 : i64} {
  func.func @_router_sc_body(%arg0: i32, %arg1: i32, %arg2: memref<32x16x64xf32, #tpu.memory_space<hbm>>, %arg3: memref<16384xf32, #tpu.memory_space<hbm>>, %arg4: memref<16x64xf32, #tpu.memory_space<vmem>>, %arg5: memref<512xf32, #tpu.memory_space<vmem>>) attributes {dimension_semantics = [#tpu.dimension_semantics<core_parallel>, #tpu.dimension_semantics<subcore_parallel>], iteration_bounds = array<i64: 2, 16>, scalar_prefetch = 0 : i64, scratch_operands = 2 : i64, tpu.core_type = #tpu.core_type<sc_vector_subcore>, window_params = [{transform_indices = #map}, {transform_indices = #map1}]} {
    %mul3A = arith.constant 2 : i32
    %mul3A_0 = arith.muli %arg1, %mul3A : i32
    %add3A = arith.addi %mul3A_0, %arg0 : i32
    %mul3A_1 = arith.constant 64 : i32
    %mul3A_2 = arith.muli %add3A, %mul3A_1 : i32
    "tpu.region"() ({
      %run_scoped3A = tpu.sem_alloc : memref<!tpu.dma_semaphore, #tpu.memory_space<semaphore_mem>>
      %dma_start3A = arith.constant 0 : i32
      %dma_start3A_1339 = arith.constant 0 : i32
      %dma_start3A_1340 = tpu.memref_slice %arg2[%add3A, %dma_start3A, %dma_start3A_1339] : memref<32x16x64xf32, #tpu.memory_space<hbm>> -> memref<1x16x64xf32, #tpu.memory_space<hbm>>
      %dma_start3A_1341 = tpu.memref_squeeze %dma_start3A_1340 : memref<1x16x64xf32, #tpu.memory_space<hbm>> -> memref<16x64xf32, #tpu.memory_space<hbm>>
      %dma_start3A_1342 = arith.constant 0 : i32
      %dma_start3A_1343 = arith.constant 0 : i32
      %dma_start3A_1344 = tpu.memref_slice %arg2[%add3A, %dma_start3A_1342, %dma_start3A_1343] : memref<32x16x64xf32, #tpu.memory_space<hbm>> -> memref<1x16x64xf32, #tpu.memory_space<hbm>>
      %dma_start3A_1345 = tpu.memref_squeeze %dma_start3A_1344 : memref<1x16x64xf32, #tpu.memory_space<hbm>> -> memref<16x64xf32, #tpu.memory_space<hbm>>
      tpu.enqueue_dma source(%dma_start3A_1345 : memref<16x64xf32, #tpu.memory_space<hbm>>) target(%arg4 : memref<16x64xf32, #tpu.memory_space<vmem>>) target_semaphore(%run_scoped3A : memref<!tpu.dma_semaphore, #tpu.memory_space<semaphore_mem>>)
      %dma_wait3A = arith.constant 0 : i32
      %dma_wait3A_1346 = arith.constant 0 : i32
      %dma_wait3A_1347 = tpu.memref_slice %arg2[%add3A, %dma_wait3A, %dma_wait3A_1346] : memref<32x16x64xf32, #tpu.memory_space<hbm>> -> memref<1x16x64xf32, #tpu.memory_space<hbm>>
      %dma_wait3A_1348 = tpu.memref_squeeze %dma_wait3A_1347 : memref<1x16x64xf32, #tpu.memory_space<hbm>> -> memref<16x64xf32, #tpu.memory_space<hbm>>
      %dma_wait3A_1349 = arith.constant 0 : i32
      %dma_wait3A_1350 = arith.constant 0 : i32
      %dma_wait3A_1351 = tpu.memref_slice %arg2[%add3A, %dma_wait3A_1349, %dma_wait3A_1350] : memref<32x16x64xf32, #tpu.memory_space<hbm>> -> memref<1x16x64xf32, #tpu.memory_space<hbm>>
      %dma_wait3A_1352 = tpu.memref_squeeze %dma_wait3A_1351 : memref<1x16x64xf32, #tpu.memory_space<hbm>> -> memref<16x64xf32, #tpu.memory_space<hbm>>
      tpu.wait_dma2 semaphore(%run_scoped3A : memref<!tpu.dma_semaphore, #tpu.memory_space<semaphore_mem>>) src(%dma_wait3A_1352 : memref<16x64xf32, #tpu.memory_space<hbm>>) dst(%arg4 : memref<16x64xf32, #tpu.memory_space<vmem>>)
      tpu.yield
    }) : () -> ()
    %get3A = arith.constant 0 : i32
    %get3A_3 = arith.index_cast %get3A : i32 to index
    %get3A_4 = arith.constant 0 : index
    %get3A_5 = tpu.vector_load %arg4[%get3A_3, %get3A_4] {strides = array<i32>} : memref<16x64xf32, #tpu.memory_space<vmem>>, vector<1x16xf32>,
    %get3A_6 = vector.shape_cast %get3A_5 : vector<1x16xf32> to vector<16xf32>
    %get3A_7 = arith.constant 1 : i32
    %get3A_8 = arith.index_cast %get3A_7 : i32 to index
    %get3A_9 = arith.constant 0 : index
    %get3A_10 = tpu.vector_load %arg4[%get3A_8, %get3A_9] {strides = array<i32>} : memref<16x64xf32, #tpu.memory_space<vmem>>, vector<1x16xf32>,
    %get3A_11 = vector.shape_cast %get3A_10 : vector<1x16xf32> to vector<16xf32>
    %max3A = arith.maximumf %get3A_6, %get3A_11 : vector<16xf32>
    %sub3A = arith.subf %get3A_6, %max3A : vector<16xf32>
    %exp3A = math.exp %sub3A : vector<16xf32>
    %sub3A_12 = arith.subf %get3A_11, %max3A : vector<16xf32>
    %exp3A_13 = math.exp %sub3A_12 : vector<16xf32>
    %add3A_14 = arith.addf %exp3A, %exp3A_13 : vector<16xf32>
    %div3A = arith.divf %exp3A, %add3A_14 : vector<16xf32>
    %div3A_15 = arith.divf %exp3A_13, %add3A_14 : vector<16xf32>
    %get3A_16 = arith.constant 2 : i32
    %get3A_17 = arith.index_cast %get3A_16 : i32 to index
    %get3A_18 = arith.constant 0 : index
    %get3A_19 = tpu.vector_load %arg4[%get3A_17, %get3A_18] {strides = array<i32>} : memref<16x64xf32, #tpu.memory_space<vmem>>, vector<1x16xf32>,
    %get3A_20 = vector.shape_cast %get3A_19 : vector<1x16xf32> to vector<16xf32>
    %get3A_21 = arith.constant 3 : i32
    %get3A_22 = arith.index_cast %get3A_21 : i32 to index
    %get3A_23 = arith.constant 0 : index
    %get3A_24 = tpu.vector_load %arg4[%get3A_22, %get3A_23] {strides = array<i32>} : memref<16x64xf32, #tpu.memory_space<vmem>>, vector<1x16xf32>,
    %get3A_25 = vector.shape_cast %get3A_24 : vector<1x16xf32> to vector<16xf32>
    %get3A_26 = arith.constant 4 : i32
    %get3A_27 = arith.index_cast %get3A_26 : i32 to index
    %get3A_28 = arith.constant 0 : index
    %get3A_29 = tpu.vector_load %arg4[%get3A_27, %get3A_28] {strides = array<i32>} : memref<16x64xf32, #tpu.memory_space<vmem>>, vector<1x16xf32>,
    %get3A_30 = vector.shape_cast %get3A_29 : vector<1x16xf32> to vector<16xf32>
    %get3A_31 = arith.constant 5 : i32
    %get3A_32 = arith.index_cast %get3A_31 : i32 to index
    %get3A_33 = arith.constant 0 : index
    %get3A_34 = tpu.vector_load %arg4[%get3A_32, %get3A_33] {strides = array<i32>} : memref<16x64xf32, #tpu.memory_space<vmem>>, vector<1x16xf32>,
    %get3A_35 = vector.shape_cast %get3A_34 : vector<1x16xf32> to vector<16xf32>
    %max3A_36 = arith.maximumf %get3A_20, %get3A_25 : vector<16xf32>
    %max3A_37 = arith.maximumf %get3A_30, %get3A_35 : vector<16xf32>
    %max3A_38 = arith.maximumf %max3A_36, %max3A_37 : vector<16xf32>
    %eq3A = arith.cmpf oeq, %get3A_20, %max3A_38 : vector<16xf32>
    %eq3A_39 = arith.cmpf oeq, %get3A_25, %max3A_38 : vector<16xf32>
    %eq3A_40 = arith.cmpf oeq, %get3A_30, %max3A_38 : vector<16xf32>
    %jit3A = arith.constant 2 : i32
    %jit3A_41 = arith.constant 3 : i32
    %broadcast_in_dim3A = vector.broadcast %jit3A : i32 to vector<16xi32>
    %broadcast_in_dim3A_42 = vector.broadcast %jit3A_41 : i32 to vector<16xi32>
    %select_n3A = arith.select %eq3A_40, %broadcast_in_dim3A, %broadcast_in_dim3A_42 : vector<16xi1>, vector<16xi32>
    %jit3A_43 = arith.constant 1 : i32
    %broadcast_in_dim3A_44 = vector.broadcast %jit3A_43 : i32 to vector<16xi32>
    %select_n3A_45 = arith.select %eq3A_39, %broadcast_in_dim3A_44, %select_n3A : vector<16xi1>, vector<16xi32>
    %jit3A_46 = arith.constant 0 : i32
    %broadcast_in_dim3A_47 = vector.broadcast %jit3A_46 : i32 to vector<16xi32>
    %select_n3A_48 = arith.select %eq3A, %broadcast_in_dim3A_47, %select_n3A_45 : vector<16xi1>, vector<16xi32>
    %eq3A_49 = arith.constant 0 : i32
    %eq3A_50 = vector.broadcast %eq3A_49 : i32 to vector<16xi32>
    %eq3A_51 = arith.cmpi eq, %select_n3A_48, %eq3A_50 : vector<16xi32>
    %jit3A_52 = arith.constant -1.000000e+30 : f32
    %broadcast_in_dim3A_53 = vector.broadcast %jit3A_52 : f32 to vector<16xf32>
    %select_n3A_54 = arith.select %eq3A_51, %broadcast_in_dim3A_53, %get3A_20 : vector<16xi1>, vector<16xf32>
    %eq3A_55 = arith.constant 1 : i32
    %eq3A_56 = vector.broadcast %eq3A_55 : i32 to vector<16xi32>
    %eq3A_57 = arith.cmpi eq, %select_n3A_48, %eq3A_56 : vector<16xi32>
    %jit3A_58 = arith.constant -1.000000e+30 : f32
    %broadcast_in_dim3A_59 = vector.broadcast %jit3A_58 : f32 to vector<16xf32>
    %select_n3A_60 = arith.select %eq3A_57, %broadcast_in_dim3A_59, %get3A_25 : vector<16xi1>, vector<16xf32>
    %eq3A_61 = arith.constant 2 : i32
    %eq3A_62 = vector.broadcast %eq3A_61 : i32 to vector<16xi32>
    %eq3A_63 = arith.cmpi eq, %select_n3A_48, %eq3A_62 : vector<16xi32>
    %jit3A_64 = arith.constant -1.000000e+30 : f32
    %broadcast_in_dim3A_65 = vector.broadcast %jit3A_64 : f32 to vector<16xf32>
    %select_n3A_66 = arith.select %eq3A_63, %broadcast_in_dim3A_65, %get3A_30 : vector<16xi1>, vector<16xf32>
    %eq3A_67 = arith.constant 3 : i32
    %eq3A_68 = vector.broadcast %eq3A_67 : i32 to vector<16xi32>
    %eq3A_69 = arith.cmpi eq, %select_n3A_48, %eq3A_68 : vector<16xi32>
    %jit3A_70 = arith.constant -1.000000e+30 : f32
    %broadcast_in_dim3A_71 = vector.broadcast %jit3A_70 : f32 to vector<16xf32>
    %select_n3A_72 = arith.select %eq3A_69, %broadcast_in_dim3A_71, %get3A_35 : vector<16xi1>, vector<16xf32>
    %max3A_73 = arith.maximumf %select_n3A_54, %select_n3A_60 : vector<16xf32>
    %max3A_74 = arith.maximumf %select_n3A_66, %select_n3A_72 : vector<16xf32>
    %max3A_75 = arith.maximumf %max3A_73, %max3A_74 : vector<16xf32>
    %eq3A_76 = arith.cmpf oeq, %select_n3A_54, %max3A_75 : vector<16xf32>
    %eq3A_77 = arith.cmpf oeq, %select_n3A_60, %max3A_75 : vector<16xf32>
    %eq3A_78 = arith.cmpf oeq, %select_n3A_66, %max3A_75 : vector<16xf32>
    %jit3A_79 = arith.constant 2 : i32
    %jit3A_80 = arith.constant 3 : i32
    %broadcast_in_dim3A_81 = vector.broadcast %jit3A_79 : i32 to vector<16xi32>
    %broadcast_in_dim3A_82 = vector.broadcast %jit3A_80 : i32 to vector<16xi32>
    %select_n3A_83 = arith.select %eq3A_78, %broadcast_in_dim3A_81, %broadcast_in_dim3A_82 : vector<16xi1>, vector<16xi32>
    %jit3A_84 = arith.constant 1 : i32
    %broadcast_in_dim3A_85 = vector.broadcast %jit3A_84 : i32 to vector<16xi32>
    %select_n3A_86 = arith.select %eq3A_77, %broadcast_in_dim3A_85, %select_n3A_83 : vector<16xi1>, vector<16xi32>
    %jit3A_87 = arith.constant 0 : i32
    %broadcast_in_dim3A_88 = vector.broadcast %jit3A_87 : i32 to vector<16xi32>
    %select_n3A_89 = arith.select %eq3A_76, %broadcast_in_dim3A_88, %select_n3A_86 : vector<16xi1>, vector<16xi32>
    %sub3A_90 = arith.subf %max3A_75, %max3A_38 : vector<16xf32>
    %exp3A_91 = math.exp %sub3A_90 : vector<16xf32>
    %add3A_92 = arith.constant 1.000000e+00 : f32
    %add3A_93 = vector.broadcast %add3A_92 : f32 to vector<16xf32>
    %add3A_94 = arith.addf %add3A_93, %exp3A_91 : vector<16xf32>
    %div3A_95 = arith.constant 1.000000e+00 : f32
    %div3A_96 = vector.broadcast %div3A_95 : f32 to vector<16xf32>
    %div3A_97 = arith.divf %div3A_96, %add3A_94 : vector<16xf32>
    %div3A_98 = arith.divf %exp3A_91, %add3A_94 : vector<16xf32>
    %eq3A_99 = arith.constant 0 : i32
    %eq3A_100 = vector.broadcast %eq3A_99 : i32 to vector<16xi32>
    %eq3A_101 = arith.cmpi eq, %select_n3A_48, %eq3A_100 : vector<16xi32>
    %jit3A_102 = arith.constant 0.000000e+00 : f32
    %broadcast_in_dim3A_103 = vector.broadcast %jit3A_102 : f32 to vector<16xf32>
    %select_n3A_104 = arith.select %eq3A_101, %div3A_97, %broadcast_in_dim3A_103 : vector<16xi1>, vector<16xf32>
    %eq3A_105 = arith.constant 0 : i32
    %eq3A_106 = vector.broadcast %eq3A_105 : i32 to vector<16xi32>
    %eq3A_107 = arith.cmpi eq, %select_n3A_89, %eq3A_106 : vector<16xi32>
    %jit3A_108 = arith.constant 0.000000e+00 : f32
    %broadcast_in_dim3A_109 = vector.broadcast %jit3A_108 : f32 to vector<16xf32>
    %select_n3A_110 = arith.select %eq3A_107, %div3A_98, %broadcast_in_dim3A_109 : vector<16xi1>, vector<16xf32>
    %add3A_111 = arith.addf %select_n3A_104, %select_n3A_110 : vector<16xf32>
    %mul3A_112 = arith.mulf %add3A_111, %div3A : vector<16xf32>
    %swap3A = arith.constant 0 : index
    %swap3A_113 = tpu.vector_load %arg5[%swap3A] {strides = array<i32>} : memref<512xf32, #tpu.memory_space<vmem>>, vector<16xf32>,
    %swap3A_114 = vector.shape_cast %swap3A_113 : vector<16xf32> to vector<16xf32>
    %swap3A_115 = vector.shape_cast %mul3A_112 : vector<16xf32> to vector<16xf32>
    tpu.vector_store %arg5[%swap3A], %swap3A_115 {strides = array<i32>} : memref<512xf32, #tpu.memory_space<vmem>>, vector<16xf32>,
    %eq3A_116 = arith.constant 1 : i32
    %eq3A_117 = vector.broadcast %eq3A_116 : i32 to vector<16xi32>
    %eq3A_118 = arith.cmpi eq, %select_n3A_48, %eq3A_117 : vector<16xi32>
    %jit3A_119 = arith.constant 0.000000e+00 : f32
    %broadcast_in_dim3A_120 = vector.broadcast %jit3A_119 : f32 to vector<16xf32>
    %select_n3A_121 = arith.select %eq3A_118, %div3A_97, %broadcast_in_dim3A_120 : vector<16xi1>, vector<16xf32>
    %eq3A_122 = arith.constant 1 : i32
    %eq3A_123 = vector.broadcast %eq3A_122 : i32 to vector<16xi32>
    %eq3A_124 = arith.cmpi eq, %select_n3A_89, %eq3A_123 : vector<16xi32>
    %jit3A_125 = arith.constant 0.000000e+00 : f32
    %broadcast_in_dim3A_126 = vector.broadcast %jit3A_125 : f32 to vector<16xf32>
    %select_n3A_127 = arith.select %eq3A_124, %div3A_98, %broadcast_in_dim3A_126 : vector<16xi1>, vector<16xf32>
    %add3A_128 = arith.addf %select_n3A_121, %select_n3A_127 : vector<16xf32>
    %mul3A_129 = arith.mulf %add3A_128, %div3A : vector<16xf32>
    %swap3A_130 = arith.constant 64 : index
    %swap3A_131 = tpu.vector_load %arg5[%swap3A_130] {strides = array<i32>} : memref<512xf32, #tpu.memory_space<vmem>>, vector<16xf32>,
    %swap3A_132 = vector.shape_cast %swap3A_131 : vector<16xf32> to vector<16xf32>
    %swap3A_133 = vector.shape_cast %mul3A_129 : vector<16xf32> to vector<16xf32>
    tpu.vector_store %arg5[%swap3A_130], %swap3A_133 {strides = array<i32>} : memref<512xf32, #tpu.memory_space<vmem>>, vector<16xf32>,
    %eq3A_134 = arith.constant 2 : i32
    %eq3A_135 = vector.broadcast %eq3A_134 : i32 to vector<16xi32>
    %eq3A_136 = arith.cmpi eq, %select_n3A_48, %eq3A_135 : vector<16xi32>
    %jit3A_137 = arith.constant 0.000000e+00 : f32
    %broadcast_in_dim3A_138 = vector.broadcast %jit3A_137 : f32 to vector<16xf32>
    %select_n3A_139 = arith.select %eq3A_136, %div3A_97, %broadcast_in_dim3A_138 : vector<16xi1>, vector<16xf32>
    %eq3A_140 = arith.constant 2 : i32
    %eq3A_141 = vector.broadcast %eq3A_140 : i32 to vector<16xi32>
    %eq3A_142 = arith.cmpi eq, %select_n3A_89, %eq3A_141 : vector<16xi32>
    %jit3A_143 = arith.constant 0.000000e+00 : f32
    %broadcast_in_dim3A_144 = vector.broadcast %jit3A_143 : f32 to vector<16xf32>
    %select_n3A_145 = arith.select %eq3A_142, %div3A_98, %broadcast_in_dim3A_144 : vector<16xi1>, vector<16xf32>
    %add3A_146 = arith.addf %select_n3A_139, %select_n3A_145 : vector<16xf32>
    %mul3A_147 = arith.mulf %add3A_146, %div3A : vector<16xf32>
    %swap3A_148 = arith.constant 128 : index
    %swap3A_149 = tpu.vector_load %arg5[%swap3A_148] {strides = array<i32>} : memref<512xf32, #tpu.memory_space<vmem>>, vector<16xf32>,
    %swap3A_150 = vector.shape_cast %swap3A_149 : vector<16xf32> to vector<16xf32>
    %swap3A_151 = vector.shape_cast %mul3A_147 : vector<16xf32> to vector<16xf32>
    tpu.vector_store %arg5[%swap3A_148], %swap3A_151 {strides = array<i32>} : memref<512xf32, #tpu.memory_space<vmem>>, vector<16xf32>,
    %eq3A_152 = arith.constant 3 : i32
    %eq3A_153 = vector.broadcast %eq3A_152 : i32 to vector<16xi32>
    %eq3A_154 = arith.cmpi eq, %select_n3A_48, %eq3A_153 : vector<16xi32>
    %jit3A_155 = arith.constant 0.000000e+00 : f32
    %broadcast_in_dim3A_156 = vector.broadcast %jit3A_155 : f32 to vector<16xf32>
    %select_n3A_157 = arith.select %eq3A_154, %div3A_97, %broadcast_in_dim3A_156 : vector<16xi1>, vector<16xf32>
    %eq3A_158 = arith.constant 3 : i32
    %eq3A_159 = vector.broadcast %eq3A_158 : i32 to vector<16xi32>
    %eq3A_160 = arith.cmpi eq, %select_n3A_89, %eq3A_159 : vector<16xi32>
    %jit3A_161 = arith.constant 0.000000e+00 : f32
    %broadcast_in_dim3A_162 = vector.broadcast %jit3A_161 : f32 to vector<16xf32>
    %select_n3A_163 = arith.select %eq3A_160, %div3A_98, %broadcast_in_dim3A_162 : vector<16xi1>, vector<16xf32>
    %add3A_164 = arith.addf %select_n3A_157, %select_n3A_163 : vector<16xf32>
    %mul3A_165 = arith.mulf %add3A_164, %div3A : vector<16xf32>
    %swap3A_166 = arith.constant 192 : index
    %swap3A_167 = tpu.vector_load %arg5[%swap3A_166] {strides = array<i32>} : memref<512xf32, #tpu.memory_space<vmem>>, vector<16xf32>,
    %swap3A_168 = vector.shape_cast %swap3A_167 : vector<16xf32> to vector<16xf32>
    %swap3A_169 = vector.shape_cast %mul3A_165 : vector<16xf32> to vector<16xf32>
    tpu.vector_store %arg5[%swap3A_166], %swap3A_169 {strides = array<i32>} : memref<512xf32, #tpu.memory_space<vmem>>, vector<16xf32>,
    %get3A_170 = arith.constant 6 : i32
    %get3A_171 = arith.index_cast %get3A_170 : i32 to index
    %get3A_172 = arith.constant 0 : index
    %get3A_173 = tpu.vector_load %arg4[%get3A_171, %get3A_172] {strides = array<i32>} : memref<16x64xf32, #tpu.memory_space<vmem>>, vector<1x16xf32>,
    %get3A_174 = vector.shape_cast %get3A_173 : vector<1x16xf32> to vector<16xf32>
    %get3A_175 = arith.constant 7 : i32
    %get3A_176 = arith.index_cast %get3A_175 : i32 to index
    %get3A_177 = arith.constant 0 : index
    %get3A_178 = tpu.vector_load %arg4[%get3A_176, %get3A_177] {strides = array<i32>} : memref<16x64xf32, #tpu.memory_space<vmem>>, vector<1x16xf32>,
    %get3A_179 = vector.shape_cast %get3A_178 : vector<1x16xf32> to vector<16xf32>
    %get3A_180 = arith.constant 8 : i32
    %get3A_181 = arith.index_cast %get3A_180 : i32 to index
    %get3A_182 = arith.constant 0 : index
    %get3A_183 = tpu.vector_load %arg4[%get3A_181, %get3A_182] {strides = array<i32>} : memref<16x64xf32, #tpu.memory_space<vmem>>, vector<1x16xf32>,
    %get3A_184 = vector.shape_cast %get3A_183 : vector<1x16xf32> to vector<16xf32>
    %get3A_185 = arith.constant 9 : i32
    %get3A_186 = arith.index_cast %get3A_185 : i32 to index
    %get3A_187 = arith.constant 0 : index
    %get3A_188 = tpu.vector_load %arg4[%get3A_186, %get3A_187] {strides = array<i32>} : memref<16x64xf32, #tpu.memory_space<vmem>>, vector<1x16xf32>,
    %get3A_189 = vector.shape_cast %get3A_188 : vector<1x16xf32> to vector<16xf32>
    %max3A_190 = arith.maximumf %get3A_174, %get3A_179 : vector<16xf32>
    %max3A_191 = arith.maximumf %get3A_184, %get3A_189 : vector<16xf32>
    %max3A_192 = arith.maximumf %max3A_190, %max3A_191 : vector<16xf32>
    %eq3A_193 = arith.cmpf oeq, %get3A_174, %max3A_192 : vector<16xf32>
    %eq3A_194 = arith.cmpf oeq, %get3A_179, %max3A_192 : vector<16xf32>
    %eq3A_195 = arith.cmpf oeq, %get3A_184, %max3A_192 : vector<16xf32>
    %jit3A_196 = arith.constant 2 : i32
    %jit3A_197 = arith.constant 3 : i32
    %broadcast_in_dim3A_198 = vector.broadcast %jit3A_196 : i32 to vector<16xi32>
    %broadcast_in_dim3A_199 = vector.broadcast %jit3A_197 : i32 to vector<16xi32>
    %select_n3A_200 = arith.select %eq3A_195, %broadcast_in_dim3A_198, %broadcast_in_dim3A_199 : vector<16xi1>, vector<16xi32>
    %jit3A_201 = arith.constant 1 : i32
    %broadcast_in_dim3A_202 = vector.broadcast %jit3A_201 : i32 to vector<16xi32>
    %select_n3A_203 = arith.select %eq3A_194, %broadcast_in_dim3A_202, %select_n3A_200 : vector<16xi1>, vector<16xi32>
    %jit3A_204 = arith.constant 0 : i32
    %broadcast_in_dim3A_205 = vector.broadcast %jit3A_204 : i32 to vector<16xi32>
    %select_n3A_206 = arith.select %eq3A_193, %broadcast_in_dim3A_205, %select_n3A_203 : vector<16xi1>, vector<16xi32>
    %eq3A_207 = arith.constant 0 : i32
    %eq3A_208 = vector.broadcast %eq3A_207 : i32 to vector<16xi32>
    %eq3A_209 = arith.cmpi eq, %select_n3A_206, %eq3A_208 : vector<16xi32>
    %jit3A_210 = arith.constant -1.000000e+30 : f32
    %broadcast_in_dim3A_211 = vector.broadcast %jit3A_210 : f32 to vector<16xf32>
    %select_n3A_212 = arith.select %eq3A_209, %broadcast_in_dim3A_211, %get3A_174 : vector<16xi1>, vector<16xf32>
    %eq3A_213 = arith.constant 1 : i32
    %eq3A_214 = vector.broadcast %eq3A_213 : i32 to vector<16xi32>
    %eq3A_215 = arith.cmpi eq, %select_n3A_206, %eq3A_214 : vector<16xi32>
    %jit3A_216 = arith.constant -1.000000e+30 : f32
    %broadcast_in_dim3A_217 = vector.broadcast %jit3A_216 : f32 to vector<16xf32>
    %select_n3A_218 = arith.select %eq3A_215, %broadcast_in_dim3A_217, %get3A_179 : vector<16xi1>, vector<16xf32>
    %eq3A_219 = arith.constant 2 : i32
    %eq3A_220 = vector.broadcast %eq3A_219 : i32 to vector<16xi32>
    %eq3A_221 = arith.cmpi eq, %select_n3A_206, %eq3A_220 : vector<16xi32>
    %jit3A_222 = arith.constant -1.000000e+30 : f32
    %broadcast_in_dim3A_223 = vector.broadcast %jit3A_222 : f32 to vector<16xf32>
    %select_n3A_224 = arith.select %eq3A_221, %broadcast_in_dim3A_223, %get3A_184 : vector<16xi1>, vector<16xf32>
    %eq3A_225 = arith.constant 3 : i32
    %eq3A_226 = vector.broadcast %eq3A_225 : i32 to vector<16xi32>
    %eq3A_227 = arith.cmpi eq, %select_n3A_206, %eq3A_226 : vector<16xi32>
    %jit3A_228 = arith.constant -1.000000e+30 : f32
    %broadcast_in_dim3A_229 = vector.broadcast %jit3A_228 : f32 to vector<16xf32>
    %select_n3A_230 = arith.select %eq3A_227, %broadcast_in_dim3A_229, %get3A_189 : vector<16xi1>, vector<16xf32>
    %max3A_231 = arith.maximumf %select_n3A_212, %select_n3A_218 : vector<16xf32>
    %max3A_232 = arith.maximumf %select_n3A_224, %select_n3A_230 : vector<16xf32>
    %max3A_233 = arith.maximumf %max3A_231, %max3A_232 : vector<16xf32>
    %eq3A_234 = arith.cmpf oeq, %select_n3A_212, %max3A_233 : vector<16xf32>
    %eq3A_235 = arith.cmpf oeq, %select_n3A_218, %max3A_233 : vector<16xf32>
    %eq3A_236 = arith.cmpf oeq, %select_n3A_224, %max3A_233 : vector<16xf32>
    %jit3A_237 = arith.constant 2 : i32
    %jit3A_238 = arith.constant 3 : i32
    %broadcast_in_dim3A_239 = vector.broadcast %jit3A_237 : i32 to vector<16xi32>
    %broadcast_in_dim3A_240 = vector.broadcast %jit3A_238 : i32 to vector<16xi32>
    %select_n3A_241 = arith.select %eq3A_236, %broadcast_in_dim3A_239, %broadcast_in_dim3A_240 : vector<16xi1>, vector<16xi32>
    %jit3A_242 = arith.constant 1 : i32
    %broadcast_in_dim3A_243 = vector.broadcast %jit3A_242 : i32 to vector<16xi32>
    %select_n3A_244 = arith.select %eq3A_235, %broadcast_in_dim3A_243, %select_n3A_241 : vector<16xi1>, vector<16xi32>
    %jit3A_245 = arith.constant 0 : i32
    %broadcast_in_dim3A_246 = vector.broadcast %jit3A_245 : i32 to vector<16xi32>
    %select_n3A_247 = arith.select %eq3A_234, %broadcast_in_dim3A_246, %select_n3A_244 : vector<16xi1>, vector<16xi32>
    %sub3A_248 = arith.subf %max3A_233, %max3A_192 : vector<16xf32>
    %exp3A_249 = math.exp %sub3A_248 : vector<16xf32>
    %add3A_250 = arith.constant 1.000000e+00 : f32
    %add3A_251 = vector.broadcast %add3A_250 : f32 to vector<16xf32>
    %add3A_252 = arith.addf %add3A_251, %exp3A_249 : vector<16xf32>
    %div3A_253 = arith.constant 1.000000e+00 : f32
    %div3A_254 = vector.broadcast %div3A_253 : f32 to vector<16xf32>
    %div3A_255 = arith.divf %div3A_254, %add3A_252 : vector<16xf32>
    %div3A_256 = arith.divf %exp3A_249, %add3A_252 : vector<16xf32>
    %eq3A_257 = arith.constant 0 : i32
    %eq3A_258 = vector.broadcast %eq3A_257 : i32 to vector<16xi32>
    %eq3A_259 = arith.cmpi eq, %select_n3A_206, %eq3A_258 : vector<16xi32>
    %jit3A_260 = arith.constant 0.000000e+00 : f32
    %broadcast_in_dim3A_261 = vector.broadcast %jit3A_260 : f32 to vector<16xf32>
    %select_n3A_262 = arith.select %eq3A_259, %div3A_255, %broadcast_in_dim3A_261 : vector<16xi1>, vector<16xf32>
    %eq3A_263 = arith.constant 0 : i32
    %eq3A_264 = vector.broadcast %eq3A_263 : i32 to vector<16xi32>
    %eq3A_265 = arith.cmpi eq, %select_n3A_247, %eq3A_264 : vector<16xi32>
    %jit3A_266 = arith.constant 0.000000e+00 : f32
    %broadcast_in_dim3A_267 = vector.broadcast %jit3A_266 : f32 to vector<16xf32>
    %select_n3A_268 = arith.select %eq3A_265, %div3A_256, %broadcast_in_dim3A_267 : vector<16xi1>, vector<16xf32>
    %add3A_269 = arith.addf %select_n3A_262, %select_n3A_268 : vector<16xf32>
    %mul3A_270 = arith.mulf %add3A_269, %div3A_15 : vector<16xf32>
    %swap3A_271 = arith.constant 256 : index
    %swap3A_272 = tpu.vector_load %arg5[%swap3A_271] {strides = array<i32>} : memref<512xf32, #tpu.memory_space<vmem>>, vector<16xf32>,
    %swap3A_273 = vector.shape_cast %swap3A_272 : vector<16xf32> to vector<16xf32>
    %swap3A_274 = vector.shape_cast %mul3A_270 : vector<16xf32> to vector<16xf32>
    tpu.vector_store %arg5[%swap3A_271], %swap3A_274 {strides = array<i32>} : memref<512xf32, #tpu.memory_space<vmem>>, vector<16xf32>,
    %eq3A_275 = arith.constant 1 : i32
    %eq3A_276 = vector.broadcast %eq3A_275 : i32 to vector<16xi32>
    %eq3A_277 = arith.cmpi eq, %select_n3A_206, %eq3A_276 : vector<16xi32>
    %jit3A_278 = arith.constant 0.000000e+00 : f32
    %broadcast_in_dim3A_279 = vector.broadcast %jit3A_278 : f32 to vector<16xf32>
    %select_n3A_280 = arith.select %eq3A_277, %div3A_255, %broadcast_in_dim3A_279 : vector<16xi1>, vector<16xf32>
    %eq3A_281 = arith.constant 1 : i32
    %eq3A_282 = vector.broadcast %eq3A_281 : i32 to vector<16xi32>
    %eq3A_283 = arith.cmpi eq, %select_n3A_247, %eq3A_282 : vector<16xi32>
    %jit3A_284 = arith.constant 0.000000e+00 : f32
    %broadcast_in_dim3A_285 = vector.broadcast %jit3A_284 : f32 to vector<16xf32>
    %select_n3A_286 = arith.select %eq3A_283, %div3A_256, %broadcast_in_dim3A_285 : vector<16xi1>, vector<16xf32>
    %add3A_287 = arith.addf %select_n3A_280, %select_n3A_286 : vector<16xf32>
    %mul3A_288 = arith.mulf %add3A_287, %div3A_15 : vector<16xf32>
    %swap3A_289 = arith.constant 320 : index
    %swap3A_290 = tpu.vector_load %arg5[%swap3A_289] {strides = array<i32>} : memref<512xf32, #tpu.memory_space<vmem>>, vector<16xf32>,
    %swap3A_291 = vector.shape_cast %swap3A_290 : vector<16xf32> to vector<16xf32>
    %swap3A_292 = vector.shape_cast %mul3A_288 : vector<16xf32> to vector<16xf32>
    tpu.vector_store %arg5[%swap3A_289], %swap3A_292 {strides = array<i32>} : memref<512xf32, #tpu.memory_space<vmem>>, vector<16xf32>,
    %eq3A_293 = arith.constant 2 : i32
    %eq3A_294 = vector.broadcast %eq3A_293 : i32 to vector<16xi32>
    %eq3A_295 = arith.cmpi eq, %select_n3A_206, %eq3A_294 : vector<16xi32>
    %jit3A_296 = arith.constant 0.000000e+00 : f32
    %broadcast_in_dim3A_297 = vector.broadcast %jit3A_296 : f32 to vector<16xf32>
    %select_n3A_298 = arith.select %eq3A_295, %div3A_255, %broadcast_in_dim3A_297 : vector<16xi1>, vector<16xf32>
    %eq3A_299 = arith.constant 2 : i32
    %eq3A_300 = vector.broadcast %eq3A_299 : i32 to vector<16xi32>
    %eq3A_301 = arith.cmpi eq, %select_n3A_247, %eq3A_300 : vector<16xi32>
    %jit3A_302 = arith.constant 0.000000e+00 : f32
    %broadcast_in_dim3A_303 = vector.broadcast %jit3A_302 : f32 to vector<16xf32>
    %select_n3A_304 = arith.select %eq3A_301, %div3A_256, %broadcast_in_dim3A_303 : vector<16xi1>, vector<16xf32>
    %add3A_305 = arith.addf %select_n3A_298, %select_n3A_304 : vector<16xf32>
    %mul3A_306 = arith.mulf %add3A_305, %div3A_15 : vector<16xf32>
    %swap3A_307 = arith.constant 384 : index
    %swap3A_308 = tpu.vector_load %arg5[%swap3A_307] {strides = array<i32>} : memref<512xf32, #tpu.memory_space<vmem>>, vector<16xf32>,
    %swap3A_309 = vector.shape_cast %swap3A_308 : vector<16xf32> to vector<16xf32>
    %swap3A_310 = vector.shape_cast %mul3A_306 : vector<16xf32> to vector<16xf32>
    tpu.vector_store %arg5[%swap3A_307], %swap3A_310 {strides = array<i32>} : memref<512xf32, #tpu.memory_space<vmem>>, vector<16xf32>,
    %eq3A_311 = arith.constant 3 : i32
    %eq3A_312 = vector.broadcast %eq3A_311 : i32 to vector<16xi32>
    %eq3A_313 = arith.cmpi eq, %select_n3A_206, %eq3A_312 : vector<16xi32>
    %jit3A_314 = arith.constant 0.000000e+00 : f32
    %broadcast_in_dim3A_315 = vector.broadcast %jit3A_314 : f32 to vector<16xf32>
    %select_n3A_316 = arith.select %eq3A_313, %div3A_255, %broadcast_in_dim3A_315 : vector<16xi1>, vector<16xf32>
    %eq3A_317 = arith.constant 3 : i32
    %eq3A_318 = vector.broadcast %eq3A_317 : i32 to vector<16xi32>
    %eq3A_319 = arith.cmpi eq, %select_n3A_247, %eq3A_318 : vector<16xi32>
    %jit3A_320 = arith.constant 0.000000e+00 : f32
    %broadcast_in_dim3A_321 = vector.broadcast %jit3A_320 : f32 to vector<16xf32>
    %select_n3A_322 = arith.select %eq3A_319, %div3A_256, %broadcast_in_dim3A_321 : vector<16xi1>, vector<16xf32>
    %add3A_323 = arith.addf %select_n3A_316, %select_n3A_322 : vector<16xf32>
    %mul3A_324 = arith.mulf %add3A_323, %div3A_15 : vector<16xf32>
    %swap3A_325 = arith.constant 448 : index
    %swap3A_326 = tpu.vector_load %arg5[%swap3A_325] {strides = array<i32>} : memref<512xf32, #tpu.memory_space<vmem>>, vector<16xf32>,
    %swap3A_327 = vector.shape_cast %swap3A_326 : vector<16xf32> to vector<16xf32>
    %swap3A_328 = vector.shape_cast %mul3A_324 : vector<16xf32> to vector<16xf32>
    tpu.vector_store %arg5[%swap3A_325], %swap3A_328 {strides = array<i32>} : memref<512xf32, #tpu.memory_space<vmem>>, vector<16xf32>,
    %get3A_329 = arith.constant 0 : i32
    %get3A_330 = arith.index_cast %get3A_329 : i32 to index
    %get3A_331 = arith.constant 16 : index
    %get3A_332 = tpu.vector_load %arg4[%get3A_330, %get3A_331] {strides = array<i32>} : memref<16x64xf32, #tpu.memory_space<vmem>>, vector<1x16xf32>,
    %get3A_333 = vector.shape_cast %get3A_332 : vector<1x16xf32> to vector<16xf32>
    %get3A_334 = arith.constant 1 : i32
    %get3A_335 = arith.index_cast %get3A_334 : i32 to index
    %get3A_336 = arith.constant 16 : index
    %get3A_337 = tpu.vector_load %arg4[%get3A_335, %get3A_336] {strides = array<i32>} : memref<16x64xf32, #tpu.memory_space<vmem>>, vector<1x16xf32>,
    %get3A_338 = vector.shape_cast %get3A_337 : vector<1x16xf32> to vector<16xf32>
    %max3A_339 = arith.maximumf %get3A_333, %get3A_338 : vector<16xf32>
    %sub3A_340 = arith.subf %get3A_333, %max3A_339 : vector<16xf32>
    %exp3A_341 = math.exp %sub3A_340 : vector<16xf32>
    %sub3A_342 = arith.subf %get3A_338, %max3A_339 : vector<16xf32>
    %exp3A_343 = math.exp %sub3A_342 : vector<16xf32>
    %add3A_344 = arith.addf %exp3A_341, %exp3A_343 : vector<16xf32>
    %div3A_345 = arith.divf %exp3A_341, %add3A_344 : vector<16xf32>
    %div3A_346 = arith.divf %exp3A_343, %add3A_344 : vector<16xf32>
    %get3A_347 = arith.constant 2 : i32
    %get3A_348 = arith.index_cast %get3A_347 : i32 to index
    %get3A_349 = arith.constant 16 : index
    %get3A_350 = tpu.vector_load %arg4[%get3A_348, %get3A_349] {strides = array<i32>} : memref<16x64xf32, #tpu.memory_space<vmem>>, vector<1x16xf32>,
    %get3A_351 = vector.shape_cast %get3A_350 : vector<1x16xf32> to vector<16xf32>
    %get3A_352 = arith.constant 3 : i32
    %get3A_353 = arith.index_cast %get3A_352 : i32 to index
    %get3A_354 = arith.constant 16 : index
    %get3A_355 = tpu.vector_load %arg4[%get3A_353, %get3A_354] {strides = array<i32>} : memref<16x64xf32, #tpu.memory_space<vmem>>, vector<1x16xf32>,
    %get3A_356 = vector.shape_cast %get3A_355 : vector<1x16xf32> to vector<16xf32>
    %get3A_357 = arith.constant 4 : i32
    %get3A_358 = arith.index_cast %get3A_357 : i32 to index
    %get3A_359 = arith.constant 16 : index
    %get3A_360 = tpu.vector_load %arg4[%get3A_358, %get3A_359] {strides = array<i32>} : memref<16x64xf32, #tpu.memory_space<vmem>>, vector<1x16xf32>,
    %get3A_361 = vector.shape_cast %get3A_360 : vector<1x16xf32> to vector<16xf32>
    %get3A_362 = arith.constant 5 : i32
    %get3A_363 = arith.index_cast %get3A_362 : i32 to index
    %get3A_364 = arith.constant 16 : index
    %get3A_365 = tpu.vector_load %arg4[%get3A_363, %get3A_364] {strides = array<i32>} : memref<16x64xf32, #tpu.memory_space<vmem>>, vector<1x16xf32>,
    %get3A_366 = vector.shape_cast %get3A_365 : vector<1x16xf32> to vector<16xf32>
    %max3A_367 = arith.maximumf %get3A_351, %get3A_356 : vector<16xf32>
    %max3A_368 = arith.maximumf %get3A_361, %get3A_366 : vector<16xf32>
    %max3A_369 = arith.maximumf %max3A_367, %max3A_368 : vector<16xf32>
    %eq3A_370 = arith.cmpf oeq, %get3A_351, %max3A_369 : vector<16xf32>
    %eq3A_371 = arith.cmpf oeq, %get3A_356, %max3A_369 : vector<16xf32>
    %eq3A_372 = arith.cmpf oeq, %get3A_361, %max3A_369 : vector<16xf32>
    %jit3A_373 = arith.constant 2 : i32
    %jit3A_374 = arith.constant 3 : i32
    %broadcast_in_dim3A_375 = vector.broadcast %jit3A_373 : i32 to vector<16xi32>
    %broadcast_in_dim3A_376 = vector.broadcast %jit3A_374 : i32 to vector<16xi32>
    %select_n3A_377 = arith.select %eq3A_372, %broadcast_in_dim3A_375, %broadcast_in_dim3A_376 : vector<16xi1>, vector<16xi32>
    %jit3A_378 = arith.constant 1 : i32
    %broadcast_in_dim3A_379 = vector.broadcast %jit3A_378 : i32 to vector<16xi32>
    %select_n3A_380 = arith.select %eq3A_371, %broadcast_in_dim3A_379, %select_n3A_377 : vector<16xi1>, vector<16xi32>
    %jit3A_381 = arith.constant 0 : i32
    %broadcast_in_dim3A_382 = vector.broadcast %jit3A_381 : i32 to vector<16xi32>
    %select_n3A_383 = arith.select %eq3A_370, %broadcast_in_dim3A_382, %select_n3A_380 : vector<16xi1>, vector<16xi32>
    %eq3A_384 = arith.constant 0 : i32
    %eq3A_385 = vector.broadcast %eq3A_384 : i32 to vector<16xi32>
    %eq3A_386 = arith.cmpi eq, %select_n3A_383, %eq3A_385 : vector<16xi32>
    %jit3A_387 = arith.constant -1.000000e+30 : f32
    %broadcast_in_dim3A_388 = vector.broadcast %jit3A_387 : f32 to vector<16xf32>
    %select_n3A_389 = arith.select %eq3A_386, %broadcast_in_dim3A_388, %get3A_351 : vector<16xi1>, vector<16xf32>
    %eq3A_390 = arith.constant 1 : i32
    %eq3A_391 = vector.broadcast %eq3A_390 : i32 to vector<16xi32>
    %eq3A_392 = arith.cmpi eq, %select_n3A_383, %eq3A_391 : vector<16xi32>
    %jit3A_393 = arith.constant -1.000000e+30 : f32
    %broadcast_in_dim3A_394 = vector.broadcast %jit3A_393 : f32 to vector<16xf32>
    %select_n3A_395 = arith.select %eq3A_392, %broadcast_in_dim3A_394, %get3A_356 : vector<16xi1>, vector<16xf32>
    %eq3A_396 = arith.constant 2 : i32
    %eq3A_397 = vector.broadcast %eq3A_396 : i32 to vector<16xi32>
    %eq3A_398 = arith.cmpi eq, %select_n3A_383, %eq3A_397 : vector<16xi32>
    %jit3A_399 = arith.constant -1.000000e+30 : f32
    %broadcast_in_dim3A_400 = vector.broadcast %jit3A_399 : f32 to vector<16xf32>
    %select_n3A_401 = arith.select %eq3A_398, %broadcast_in_dim3A_400, %get3A_361 : vector<16xi1>, vector<16xf32>
    %eq3A_402 = arith.constant 3 : i32
    %eq3A_403 = vector.broadcast %eq3A_402 : i32 to vector<16xi32>
    %eq3A_404 = arith.cmpi eq, %select_n3A_383, %eq3A_403 : vector<16xi32>
    %jit3A_405 = arith.constant -1.000000e+30 : f32
    %broadcast_in_dim3A_406 = vector.broadcast %jit3A_405 : f32 to vector<16xf32>
    %select_n3A_407 = arith.select %eq3A_404, %broadcast_in_dim3A_406, %get3A_366 : vector<16xi1>, vector<16xf32>
    %max3A_408 = arith.maximumf %select_n3A_389, %select_n3A_395 : vector<16xf32>
    %max3A_409 = arith.maximumf %select_n3A_401, %select_n3A_407 : vector<16xf32>
    %max3A_410 = arith.maximumf %max3A_408, %max3A_409 : vector<16xf32>
    %eq3A_411 = arith.cmpf oeq, %select_n3A_389, %max3A_410 : vector<16xf32>
    %eq3A_412 = arith.cmpf oeq, %select_n3A_395, %max3A_410 : vector<16xf32>
    %eq3A_413 = arith.cmpf oeq, %select_n3A_401, %max3A_410 : vector<16xf32>
    %jit3A_414 = arith.constant 2 : i32
    %jit3A_415 = arith.constant 3 : i32
    %broadcast_in_dim3A_416 = vector.broadcast %jit3A_414 : i32 to vector<16xi32>
    %broadcast_in_dim3A_417 = vector.broadcast %jit3A_415 : i32 to vector<16xi32>
    %select_n3A_418 = arith.select %eq3A_413, %broadcast_in_dim3A_416, %broadcast_in_dim3A_417 : vector<16xi1>, vector<16xi32>
    %jit3A_419 = arith.constant 1 : i32
    %broadcast_in_dim3A_420 = vector.broadcast %jit3A_419 : i32 to vector<16xi32>
    %select_n3A_421 = arith.select %eq3A_412, %broadcast_in_dim3A_420, %select_n3A_418 : vector<16xi1>, vector<16xi32>
    %jit3A_422 = arith.constant 0 : i32
    %broadcast_in_dim3A_423 = vector.broadcast %jit3A_422 : i32 to vector<16xi32>
    %select_n3A_424 = arith.select %eq3A_411, %broadcast_in_dim3A_423, %select_n3A_421 : vector<16xi1>, vector<16xi32>
    %sub3A_425 = arith.subf %max3A_410, %max3A_369 : vector<16xf32>
    %exp3A_426 = math.exp %sub3A_425 : vector<16xf32>
    %add3A_427 = arith.constant 1.000000e+00 : f32
    %add3A_428 = vector.broadcast %add3A_427 : f32 to vector<16xf32>
    %add3A_429 = arith.addf %add3A_428, %exp3A_426 : vector<16xf32>
    %div3A_430 = arith.constant 1.000000e+00 : f32
    %div3A_431 = vector.broadcast %div3A_430 : f32 to vector<16xf32>
    %div3A_432 = arith.divf %div3A_431, %add3A_429 : vector<16xf32>
    %div3A_433 = arith.divf %exp3A_426, %add3A_429 : vector<16xf32>
    %eq3A_434 = arith.constant 0 : i32
    %eq3A_435 = vector.broadcast %eq3A_434 : i32 to vector<16xi32>
    %eq3A_436 = arith.cmpi eq, %select_n3A_383, %eq3A_435 : vector<16xi32>
    %jit3A_437 = arith.constant 0.000000e+00 : f32
    %broadcast_in_dim3A_438 = vector.broadcast %jit3A_437 : f32 to vector<16xf32>
    %select_n3A_439 = arith.select %eq3A_436, %div3A_432, %broadcast_in_dim3A_438 : vector<16xi1>, vector<16xf32>
    %eq3A_440 = arith.constant 0 : i32
    %eq3A_441 = vector.broadcast %eq3A_440 : i32 to vector<16xi32>
    %eq3A_442 = arith.cmpi eq, %select_n3A_424, %eq3A_441 : vector<16xi32>
    %jit3A_443 = arith.constant 0.000000e+00 : f32
    %broadcast_in_dim3A_444 = vector.broadcast %jit3A_443 : f32 to vector<16xf32>
    %select_n3A_445 = arith.select %eq3A_442, %div3A_433, %broadcast_in_dim3A_444 : vector<16xi1>, vector<16xf32>
    %add3A_446 = arith.addf %select_n3A_439, %select_n3A_445 : vector<16xf32>
    %mul3A_447 = arith.mulf %add3A_446, %div3A_345 : vector<16xf32>
    %swap3A_448 = arith.constant 16 : index
    %swap3A_449 = tpu.vector_load %arg5[%swap3A_448] {strides = array<i32>} : memref<512xf32, #tpu.memory_space<vmem>>, vector<16xf32>,
    %swap3A_450 = vector.shape_cast %swap3A_449 : vector<16xf32> to vector<16xf32>
    %swap3A_451 = vector.shape_cast %mul3A_447 : vector<16xf32> to vector<16xf32>
    tpu.vector_store %arg5[%swap3A_448], %swap3A_451 {strides = array<i32>} : memref<512xf32, #tpu.memory_space<vmem>>, vector<16xf32>,
    %eq3A_452 = arith.constant 1 : i32
    %eq3A_453 = vector.broadcast %eq3A_452 : i32 to vector<16xi32>
    %eq3A_454 = arith.cmpi eq, %select_n3A_383, %eq3A_453 : vector<16xi32>
    %jit3A_455 = arith.constant 0.000000e+00 : f32
    %broadcast_in_dim3A_456 = vector.broadcast %jit3A_455 : f32 to vector<16xf32>
    %select_n3A_457 = arith.select %eq3A_454, %div3A_432, %broadcast_in_dim3A_456 : vector<16xi1>, vector<16xf32>
    %eq3A_458 = arith.constant 1 : i32
    %eq3A_459 = vector.broadcast %eq3A_458 : i32 to vector<16xi32>
    %eq3A_460 = arith.cmpi eq, %select_n3A_424, %eq3A_459 : vector<16xi32>
    %jit3A_461 = arith.constant 0.000000e+00 : f32
    %broadcast_in_dim3A_462 = vector.broadcast %jit3A_461 : f32 to vector<16xf32>
    %select_n3A_463 = arith.select %eq3A_460, %div3A_433, %broadcast_in_dim3A_462 : vector<16xi1>, vector<16xf32>
    %add3A_464 = arith.addf %select_n3A_457, %select_n3A_463 : vector<16xf32>
    %mul3A_465 = arith.mulf %add3A_464, %div3A_345 : vector<16xf32>
    %swap3A_466 = arith.constant 80 : index
    %swap3A_467 = tpu.vector_load %arg5[%swap3A_466] {strides = array<i32>} : memref<512xf32, #tpu.memory_space<vmem>>, vector<16xf32>,
    %swap3A_468 = vector.shape_cast %swap3A_467 : vector<16xf32> to vector<16xf32>
    %swap3A_469 = vector.shape_cast %mul3A_465 : vector<16xf32> to vector<16xf32>
    tpu.vector_store %arg5[%swap3A_466], %swap3A_469 {strides = array<i32>} : memref<512xf32, #tpu.memory_space<vmem>>, vector<16xf32>,
    %eq3A_470 = arith.constant 2 : i32
    %eq3A_471 = vector.broadcast %eq3A_470 : i32 to vector<16xi32>
    %eq3A_472 = arith.cmpi eq, %select_n3A_383, %eq3A_471 : vector<16xi32>
    %jit3A_473 = arith.constant 0.000000e+00 : f32
    %broadcast_in_dim3A_474 = vector.broadcast %jit3A_473 : f32 to vector<16xf32>
    %select_n3A_475 = arith.select %eq3A_472, %div3A_432, %broadcast_in_dim3A_474 : vector<16xi1>, vector<16xf32>
    %eq3A_476 = arith.constant 2 : i32
    %eq3A_477 = vector.broadcast %eq3A_476 : i32 to vector<16xi32>
    %eq3A_478 = arith.cmpi eq, %select_n3A_424, %eq3A_477 : vector<16xi32>
    %jit3A_479 = arith.constant 0.000000e+00 : f32
    %broadcast_in_dim3A_480 = vector.broadcast %jit3A_479 : f32 to vector<16xf32>
    %select_n3A_481 = arith.select %eq3A_478, %div3A_433, %broadcast_in_dim3A_480 : vector<16xi1>, vector<16xf32>
    %add3A_482 = arith.addf %select_n3A_475, %select_n3A_481 : vector<16xf32>
    %mul3A_483 = arith.mulf %add3A_482, %div3A_345 : vector<16xf32>
    %swap3A_484 = arith.constant 144 : index
    %swap3A_485 = tpu.vector_load %arg5[%swap3A_484] {strides = array<i32>} : memref<512xf32, #tpu.memory_space<vmem>>, vector<16xf32>,
    %swap3A_486 = vector.shape_cast %swap3A_485 : vector<16xf32> to vector<16xf32>
    %swap3A_487 = vector.shape_cast %mul3A_483 : vector<16xf32> to vector<16xf32>
    tpu.vector_store %arg5[%swap3A_484], %swap3A_487 {strides = array<i32>} : memref<512xf32, #tpu.memory_space<vmem>>, vector<16xf32>,
    %eq3A_488 = arith.constant 3 : i32
    %eq3A_489 = vector.broadcast %eq3A_488 : i32 to vector<16xi32>
    %eq3A_490 = arith.cmpi eq, %select_n3A_383, %eq3A_489 : vector<16xi32>
    %jit3A_491 = arith.constant 0.000000e+00 : f32
    %broadcast_in_dim3A_492 = vector.broadcast %jit3A_491 : f32 to vector<16xf32>
    %select_n3A_493 = arith.select %eq3A_490, %div3A_432, %broadcast_in_dim3A_492 : vector<16xi1>, vector<16xf32>
    %eq3A_494 = arith.constant 3 : i32
    %eq3A_495 = vector.broadcast %eq3A_494 : i32 to vector<16xi32>
    %eq3A_496 = arith.cmpi eq, %select_n3A_424, %eq3A_495 : vector<16xi32>
    %jit3A_497 = arith.constant 0.000000e+00 : f32
    %broadcast_in_dim3A_498 = vector.broadcast %jit3A_497 : f32 to vector<16xf32>
    %select_n3A_499 = arith.select %eq3A_496, %div3A_433, %broadcast_in_dim3A_498 : vector<16xi1>, vector<16xf32>
    %add3A_500 = arith.addf %select_n3A_493, %select_n3A_499 : vector<16xf32>
    %mul3A_501 = arith.mulf %add3A_500, %div3A_345 : vector<16xf32>
    %swap3A_502 = arith.constant 208 : index
    %swap3A_503 = tpu.vector_load %arg5[%swap3A_502] {strides = array<i32>} : memref<512xf32, #tpu.memory_space<vmem>>, vector<16xf32>,
    %swap3A_504 = vector.shape_cast %swap3A_503 : vector<16xf32> to vector<16xf32>
    %swap3A_505 = vector.shape_cast %mul3A_501 : vector<16xf32> to vector<16xf32>
    tpu.vector_store %arg5[%swap3A_502], %swap3A_505 {strides = array<i32>} : memref<512xf32, #tpu.memory_space<vmem>>, vector<16xf32>,
    %get3A_506 = arith.constant 6 : i32
    %get3A_507 = arith.index_cast %get3A_506 : i32 to index
    %get3A_508 = arith.constant 16 : index
    %get3A_509 = tpu.vector_load %arg4[%get3A_507, %get3A_508] {strides = array<i32>} : memref<16x64xf32, #tpu.memory_space<vmem>>, vector<1x16xf32>,
    %get3A_510 = vector.shape_cast %get3A_509 : vector<1x16xf32> to vector<16xf32>
    %get3A_511 = arith.constant 7 : i32
    %get3A_512 = arith.index_cast %get3A_511 : i32 to index
    %get3A_513 = arith.constant 16 : index
    %get3A_514 = tpu.vector_load %arg4[%get3A_512, %get3A_513] {strides = array<i32>} : memref<16x64xf32, #tpu.memory_space<vmem>>, vector<1x16xf32>,
    %get3A_515 = vector.shape_cast %get3A_514 : vector<1x16xf32> to vector<16xf32>
    %get3A_516 = arith.constant 8 : i32
    %get3A_517 = arith.index_cast %get3A_516 : i32 to index
    %get3A_518 = arith.constant 16 : index
    %get3A_519 = tpu.vector_load %arg4[%get3A_517, %get3A_518] {strides = array<i32>} : memref<16x64xf32, #tpu.memory_space<vmem>>, vector<1x16xf32>,
    %get3A_520 = vector.shape_cast %get3A_519 : vector<1x16xf32> to vector<16xf32>
    %get3A_521 = arith.constant 9 : i32
    %get3A_522 = arith.index_cast %get3A_521 : i32 to index
    %get3A_523 = arith.constant 16 : index
    %get3A_524 = tpu.vector_load %arg4[%get3A_522, %get3A_523] {strides = array<i32>} : memref<16x64xf32, #tpu.memory_space<vmem>>, vector<1x16xf32>,
    %get3A_525 = vector.shape_cast %get3A_524 : vector<1x16xf32> to vector<16xf32>
    %max3A_526 = arith.maximumf %get3A_510, %get3A_515 : vector<16xf32>
    %max3A_527 = arith.maximumf %get3A_520, %get3A_525 : vector<16xf32>
    %max3A_528 = arith.maximumf %max3A_526, %max3A_527 : vector<16xf32>
    %eq3A_529 = arith.cmpf oeq, %get3A_510, %max3A_528 : vector<16xf32>
    %eq3A_530 = arith.cmpf oeq, %get3A_515, %max3A_528 : vector<16xf32>
    %eq3A_531 = arith.cmpf oeq, %get3A_520, %max3A_528 : vector<16xf32>
    %jit3A_532 = arith.constant 2 : i32
    %jit3A_533 = arith.constant 3 : i32
    %broadcast_in_dim3A_534 = vector.broadcast %jit3A_532 : i32 to vector<16xi32>
    %broadcast_in_dim3A_535 = vector.broadcast %jit3A_533 : i32 to vector<16xi32>
    %select_n3A_536 = arith.select %eq3A_531, %broadcast_in_dim3A_534, %broadcast_in_dim3A_535 : vector<16xi1>, vector<16xi32>
    %jit3A_537 = arith.constant 1 : i32
    %broadcast_in_dim3A_538 = vector.broadcast %jit3A_537 : i32 to vector<16xi32>
    %select_n3A_539 = arith.select %eq3A_530, %broadcast_in_dim3A_538, %select_n3A_536 : vector<16xi1>, vector<16xi32>
    %jit3A_540 = arith.constant 0 : i32
    %broadcast_in_dim3A_541 = vector.broadcast %jit3A_540 : i32 to vector<16xi32>
    %select_n3A_542 = arith.select %eq3A_529, %broadcast_in_dim3A_541, %select_n3A_539 : vector<16xi1>, vector<16xi32>
    %eq3A_543 = arith.constant 0 : i32
    %eq3A_544 = vector.broadcast %eq3A_543 : i32 to vector<16xi32>
    %eq3A_545 = arith.cmpi eq, %select_n3A_542, %eq3A_544 : vector<16xi32>
    %jit3A_546 = arith.constant -1.000000e+30 : f32
    %broadcast_in_dim3A_547 = vector.broadcast %jit3A_546 : f32 to vector<16xf32>
    %select_n3A_548 = arith.select %eq3A_545, %broadcast_in_dim3A_547, %get3A_510 : vector<16xi1>, vector<16xf32>
    %eq3A_549 = arith.constant 1 : i32
    %eq3A_550 = vector.broadcast %eq3A_549 : i32 to vector<16xi32>
    %eq3A_551 = arith.cmpi eq, %select_n3A_542, %eq3A_550 : vector<16xi32>
    %jit3A_552 = arith.constant -1.000000e+30 : f32
    %broadcast_in_dim3A_553 = vector.broadcast %jit3A_552 : f32 to vector<16xf32>
    %select_n3A_554 = arith.select %eq3A_551, %broadcast_in_dim3A_553, %get3A_515 : vector<16xi1>, vector<16xf32>
    %eq3A_555 = arith.constant 2 : i32
    %eq3A_556 = vector.broadcast %eq3A_555 : i32 to vector<16xi32>
    %eq3A_557 = arith.cmpi eq, %select_n3A_542, %eq3A_556 : vector<16xi32>
    %jit3A_558 = arith.constant -1.000000e+30 : f32
    %broadcast_in_dim3A_559 = vector.broadcast %jit3A_558 : f32 to vector<16xf32>
    %select_n3A_560 = arith.select %eq3A_557, %broadcast_in_dim3A_559, %get3A_520 : vector<16xi1>, vector<16xf32>
    %eq3A_561 = arith.constant 3 : i32
    %eq3A_562 = vector.broadcast %eq3A_561 : i32 to vector<16xi32>
    %eq3A_563 = arith.cmpi eq, %select_n3A_542, %eq3A_562 : vector<16xi32>
    %jit3A_564 = arith.constant -1.000000e+30 : f32
    %broadcast_in_dim3A_565 = vector.broadcast %jit3A_564 : f32 to vector<16xf32>
    %select_n3A_566 = arith.select %eq3A_563, %broadcast_in_dim3A_565, %get3A_525 : vector<16xi1>, vector<16xf32>
    %max3A_567 = arith.maximumf %select_n3A_548, %select_n3A_554 : vector<16xf32>
    %max3A_568 = arith.maximumf %select_n3A_560, %select_n3A_566 : vector<16xf32>
    %max3A_569 = arith.maximumf %max3A_567, %max3A_568 : vector<16xf32>
    %eq3A_570 = arith.cmpf oeq, %select_n3A_548, %max3A_569 : vector<16xf32>
    %eq3A_571 = arith.cmpf oeq, %select_n3A_554, %max3A_569 : vector<16xf32>
    %eq3A_572 = arith.cmpf oeq, %select_n3A_560, %max3A_569 : vector<16xf32>
    %jit3A_573 = arith.constant 2 : i32
    %jit3A_574 = arith.constant 3 : i32
    %broadcast_in_dim3A_575 = vector.broadcast %jit3A_573 : i32 to vector<16xi32>
    %broadcast_in_dim3A_576 = vector.broadcast %jit3A_574 : i32 to vector<16xi32>
    %select_n3A_577 = arith.select %eq3A_572, %broadcast_in_dim3A_575, %broadcast_in_dim3A_576 : vector<16xi1>, vector<16xi32>
    %jit3A_578 = arith.constant 1 : i32
    %broadcast_in_dim3A_579 = vector.broadcast %jit3A_578 : i32 to vector<16xi32>
    %select_n3A_580 = arith.select %eq3A_571, %broadcast_in_dim3A_579, %select_n3A_577 : vector<16xi1>, vector<16xi32>
    %jit3A_581 = arith.constant 0 : i32
    %broadcast_in_dim3A_582 = vector.broadcast %jit3A_581 : i32 to vector<16xi32>
    %select_n3A_583 = arith.select %eq3A_570, %broadcast_in_dim3A_582, %select_n3A_580 : vector<16xi1>, vector<16xi32>
    %sub3A_584 = arith.subf %max3A_569, %max3A_528 : vector<16xf32>
    %exp3A_585 = math.exp %sub3A_584 : vector<16xf32>
    %add3A_586 = arith.constant 1.000000e+00 : f32
    %add3A_587 = vector.broadcast %add3A_586 : f32 to vector<16xf32>
    %add3A_588 = arith.addf %add3A_587, %exp3A_585 : vector<16xf32>
    %div3A_589 = arith.constant 1.000000e+00 : f32
    %div3A_590 = vector.broadcast %div3A_589 : f32 to vector<16xf32>
    %div3A_591 = arith.divf %div3A_590, %add3A_588 : vector<16xf32>
    %div3A_592 = arith.divf %exp3A_585, %add3A_588 : vector<16xf32>
    %eq3A_593 = arith.constant 0 : i32
    %eq3A_594 = vector.broadcast %eq3A_593 : i32 to vector<16xi32>
    %eq3A_595 = arith.cmpi eq, %select_n3A_542, %eq3A_594 : vector<16xi32>
    %jit3A_596 = arith.constant 0.000000e+00 : f32
    %broadcast_in_dim3A_597 = vector.broadcast %jit3A_596 : f32 to vector<16xf32>
    %select_n3A_598 = arith.select %eq3A_595, %div3A_591, %broadcast_in_dim3A_597 : vector<16xi1>, vector<16xf32>
    %eq3A_599 = arith.constant 0 : i32
    %eq3A_600 = vector.broadcast %eq3A_599 : i32 to vector<16xi32>
    %eq3A_601 = arith.cmpi eq, %select_n3A_583, %eq3A_600 : vector<16xi32>
    %jit3A_602 = arith.constant 0.000000e+00 : f32
    %broadcast_in_dim3A_603 = vector.broadcast %jit3A_602 : f32 to vector<16xf32>
    %select_n3A_604 = arith.select %eq3A_601, %div3A_592, %broadcast_in_dim3A_603 : vector<16xi1>, vector<16xf32>
    %add3A_605 = arith.addf %select_n3A_598, %select_n3A_604 : vector<16xf32>
    %mul3A_606 = arith.mulf %add3A_605, %div3A_346 : vector<16xf32>
    %swap3A_607 = arith.constant 272 : index
    %swap3A_608 = tpu.vector_load %arg5[%swap3A_607] {strides = array<i32>} : memref<512xf32, #tpu.memory_space<vmem>>, vector<16xf32>,
    %swap3A_609 = vector.shape_cast %swap3A_608 : vector<16xf32> to vector<16xf32>
    %swap3A_610 = vector.shape_cast %mul3A_606 : vector<16xf32> to vector<16xf32>
    tpu.vector_store %arg5[%swap3A_607], %swap3A_610 {strides = array<i32>} : memref<512xf32, #tpu.memory_space<vmem>>, vector<16xf32>,
    %eq3A_611 = arith.constant 1 : i32
    %eq3A_612 = vector.broadcast %eq3A_611 : i32 to vector<16xi32>
    %eq3A_613 = arith.cmpi eq, %select_n3A_542, %eq3A_612 : vector<16xi32>
    %jit3A_614 = arith.constant 0.000000e+00 : f32
    %broadcast_in_dim3A_615 = vector.broadcast %jit3A_614 : f32 to vector<16xf32>
    %select_n3A_616 = arith.select %eq3A_613, %div3A_591, %broadcast_in_dim3A_615 : vector<16xi1>, vector<16xf32>
    %eq3A_617 = arith.constant 1 : i32
    %eq3A_618 = vector.broadcast %eq3A_617 : i32 to vector<16xi32>
    %eq3A_619 = arith.cmpi eq, %select_n3A_583, %eq3A_618 : vector<16xi32>
    %jit3A_620 = arith.constant 0.000000e+00 : f32
    %broadcast_in_dim3A_621 = vector.broadcast %jit3A_620 : f32 to vector<16xf32>
    %select_n3A_622 = arith.select %eq3A_619, %div3A_592, %broadcast_in_dim3A_621 : vector<16xi1>, vector<16xf32>
    %add3A_623 = arith.addf %select_n3A_616, %select_n3A_622 : vector<16xf32>
    %mul3A_624 = arith.mulf %add3A_623, %div3A_346 : vector<16xf32>
    %swap3A_625 = arith.constant 336 : index
    %swap3A_626 = tpu.vector_load %arg5[%swap3A_625] {strides = array<i32>} : memref<512xf32, #tpu.memory_space<vmem>>, vector<16xf32>,
    %swap3A_627 = vector.shape_cast %swap3A_626 : vector<16xf32> to vector<16xf32>
    %swap3A_628 = vector.shape_cast %mul3A_624 : vector<16xf32> to vector<16xf32>
    tpu.vector_store %arg5[%swap3A_625], %swap3A_628 {strides = array<i32>} : memref<512xf32, #tpu.memory_space<vmem>>, vector<16xf32>,
    %eq3A_629 = arith.constant 2 : i32
    %eq3A_630 = vector.broadcast %eq3A_629 : i32 to vector<16xi32>
    %eq3A_631 = arith.cmpi eq, %select_n3A_542, %eq3A_630 : vector<16xi32>
    %jit3A_632 = arith.constant 0.000000e+00 : f32
    %broadcast_in_dim3A_633 = vector.broadcast %jit3A_632 : f32 to vector<16xf32>
    %select_n3A_634 = arith.select %eq3A_631, %div3A_591, %broadcast_in_dim3A_633 : vector<16xi1>, vector<16xf32>
    %eq3A_635 = arith.constant 2 : i32
    %eq3A_636 = vector.broadcast %eq3A_635 : i32 to vector<16xi32>
    %eq3A_637 = arith.cmpi eq, %select_n3A_583, %eq3A_636 : vector<16xi32>
    %jit3A_638 = arith.constant 0.000000e+00 : f32
    %broadcast_in_dim3A_639 = vector.broadcast %jit3A_638 : f32 to vector<16xf32>
    %select_n3A_640 = arith.select %eq3A_637, %div3A_592, %broadcast_in_dim3A_639 : vector<16xi1>, vector<16xf32>
    %add3A_641 = arith.addf %select_n3A_634, %select_n3A_640 : vector<16xf32>
    %mul3A_642 = arith.mulf %add3A_641, %div3A_346 : vector<16xf32>
    %swap3A_643 = arith.constant 400 : index
    %swap3A_644 = tpu.vector_load %arg5[%swap3A_643] {strides = array<i32>} : memref<512xf32, #tpu.memory_space<vmem>>, vector<16xf32>,
    %swap3A_645 = vector.shape_cast %swap3A_644 : vector<16xf32> to vector<16xf32>
    %swap3A_646 = vector.shape_cast %mul3A_642 : vector<16xf32> to vector<16xf32>
    tpu.vector_store %arg5[%swap3A_643], %swap3A_646 {strides = array<i32>} : memref<512xf32, #tpu.memory_space<vmem>>, vector<16xf32>,
    %eq3A_647 = arith.constant 3 : i32
    %eq3A_648 = vector.broadcast %eq3A_647 : i32 to vector<16xi32>
    %eq3A_649 = arith.cmpi eq, %select_n3A_542, %eq3A_648 : vector<16xi32>
    %jit3A_650 = arith.constant 0.000000e+00 : f32
    %broadcast_in_dim3A_651 = vector.broadcast %jit3A_650 : f32 to vector<16xf32>
    %select_n3A_652 = arith.select %eq3A_649, %div3A_591, %broadcast_in_dim3A_651 : vector<16xi1>, vector<16xf32>
    %eq3A_653 = arith.constant 3 : i32
    %eq3A_654 = vector.broadcast %eq3A_653 : i32 to vector<16xi32>
    %eq3A_655 = arith.cmpi eq, %select_n3A_583, %eq3A_654 : vector<16xi32>
    %jit3A_656 = arith.constant 0.000000e+00 : f32
    %broadcast_in_dim3A_657 = vector.broadcast %jit3A_656 : f32 to vector<16xf32>
    %select_n3A_658 = arith.select %eq3A_655, %div3A_592, %broadcast_in_dim3A_657 : vector<16xi1>, vector<16xf32>
    %add3A_659 = arith.addf %select_n3A_652, %select_n3A_658 : vector<16xf32>
    %mul3A_660 = arith.mulf %add3A_659, %div3A_346 : vector<16xf32>
    %swap3A_661 = arith.constant 464 : index
    %swap3A_662 = tpu.vector_load %arg5[%swap3A_661] {strides = array<i32>} : memref<512xf32, #tpu.memory_space<vmem>>, vector<16xf32>,
    %swap3A_663 = vector.shape_cast %swap3A_662 : vector<16xf32> to vector<16xf32>
    %swap3A_664 = vector.shape_cast %mul3A_660 : vector<16xf32> to vector<16xf32>
    tpu.vector_store %arg5[%swap3A_661], %swap3A_664 {strides = array<i32>} : memref<512xf32, #tpu.memory_space<vmem>>, vector<16xf32>,
    %get3A_665 = arith.constant 0 : i32
    %get3A_666 = arith.index_cast %get3A_665 : i32 to index
    %get3A_667 = arith.constant 32 : index
    %get3A_668 = tpu.vector_load %arg4[%get3A_666, %get3A_667] {strides = array<i32>} : memref<16x64xf32, #tpu.memory_space<vmem>>, vector<1x16xf32>,
    %get3A_669 = vector.shape_cast %get3A_668 : vector<1x16xf32> to vector<16xf32>
    %get3A_670 = arith.constant 1 : i32
    %get3A_671 = arith.index_cast %get3A_670 : i32 to index
    %get3A_672 = arith.constant 32 : index
    %get3A_673 = tpu.vector_load %arg4[%get3A_671, %get3A_672] {strides = array<i32>} : memref<16x64xf32, #tpu.memory_space<vmem>>, vector<1x16xf32>,
    %get3A_674 = vector.shape_cast %get3A_673 : vector<1x16xf32> to vector<16xf32>
    %max3A_675 = arith.maximumf %get3A_669, %get3A_674 : vector<16xf32>
    %sub3A_676 = arith.subf %get3A_669, %max3A_675 : vector<16xf32>
    %exp3A_677 = math.exp %sub3A_676 : vector<16xf32>
    %sub3A_678 = arith.subf %get3A_674, %max3A_675 : vector<16xf32>
    %exp3A_679 = math.exp %sub3A_678 : vector<16xf32>
    %add3A_680 = arith.addf %exp3A_677, %exp3A_679 : vector<16xf32>
    %div3A_681 = arith.divf %exp3A_677, %add3A_680 : vector<16xf32>
    %div3A_682 = arith.divf %exp3A_679, %add3A_680 : vector<16xf32>
    %get3A_683 = arith.constant 2 : i32
    %get3A_684 = arith.index_cast %get3A_683 : i32 to index
    %get3A_685 = arith.constant 32 : index
    %get3A_686 = tpu.vector_load %arg4[%get3A_684, %get3A_685] {strides = array<i32>} : memref<16x64xf32, #tpu.memory_space<vmem>>, vector<1x16xf32>,
    %get3A_687 = vector.shape_cast %get3A_686 : vector<1x16xf32> to vector<16xf32>
    %get3A_688 = arith.constant 3 : i32
    %get3A_689 = arith.index_cast %get3A_688 : i32 to index
    %get3A_690 = arith.constant 32 : index
    %get3A_691 = tpu.vector_load %arg4[%get3A_689, %get3A_690] {strides = array<i32>} : memref<16x64xf32, #tpu.memory_space<vmem>>, vector<1x16xf32>,
    %get3A_692 = vector.shape_cast %get3A_691 : vector<1x16xf32> to vector<16xf32>
    %get3A_693 = arith.constant 4 : i32
    %get3A_694 = arith.index_cast %get3A_693 : i32 to index
    %get3A_695 = arith.constant 32 : index
    %get3A_696 = tpu.vector_load %arg4[%get3A_694, %get3A_695] {strides = array<i32>} : memref<16x64xf32, #tpu.memory_space<vmem>>, vector<1x16xf32>,
    %get3A_697 = vector.shape_cast %get3A_696 : vector<1x16xf32> to vector<16xf32>
    %get3A_698 = arith.constant 5 : i32
    %get3A_699 = arith.index_cast %get3A_698 : i32 to index
    %get3A_700 = arith.constant 32 : index
    %get3A_701 = tpu.vector_load %arg4[%get3A_699, %get3A_700] {strides = array<i32>} : memref<16x64xf32, #tpu.memory_space<vmem>>, vector<1x16xf32>,
    %get3A_702 = vector.shape_cast %get3A_701 : vector<1x16xf32> to vector<16xf32>
    %max3A_703 = arith.maximumf %get3A_687, %get3A_692 : vector<16xf32>
    %max3A_704 = arith.maximumf %get3A_697, %get3A_702 : vector<16xf32>
    %max3A_705 = arith.maximumf %max3A_703, %max3A_704 : vector<16xf32>
    %eq3A_706 = arith.cmpf oeq, %get3A_687, %max3A_705 : vector<16xf32>
    %eq3A_707 = arith.cmpf oeq, %get3A_692, %max3A_705 : vector<16xf32>
    %eq3A_708 = arith.cmpf oeq, %get3A_697, %max3A_705 : vector<16xf32>
    %jit3A_709 = arith.constant 2 : i32
    %jit3A_710 = arith.constant 3 : i32
    %broadcast_in_dim3A_711 = vector.broadcast %jit3A_709 : i32 to vector<16xi32>
    %broadcast_in_dim3A_712 = vector.broadcast %jit3A_710 : i32 to vector<16xi32>
    %select_n3A_713 = arith.select %eq3A_708, %broadcast_in_dim3A_711, %broadcast_in_dim3A_712 : vector<16xi1>, vector<16xi32>
    %jit3A_714 = arith.constant 1 : i32
    %broadcast_in_dim3A_715 = vector.broadcast %jit3A_714 : i32 to vector<16xi32>
    %select_n3A_716 = arith.select %eq3A_707, %broadcast_in_dim3A_715, %select_n3A_713 : vector<16xi1>, vector<16xi32>
    %jit3A_717 = arith.constant 0 : i32
    %broadcast_in_dim3A_718 = vector.broadcast %jit3A_717 : i32 to vector<16xi32>
    %select_n3A_719 = arith.select %eq3A_706, %broadcast_in_dim3A_718, %select_n3A_716 : vector<16xi1>, vector<16xi32>
    %eq3A_720 = arith.constant 0 : i32
    %eq3A_721 = vector.broadcast %eq3A_720 : i32 to vector<16xi32>
    %eq3A_722 = arith.cmpi eq, %select_n3A_719, %eq3A_721 : vector<16xi32>
    %jit3A_723 = arith.constant -1.000000e+30 : f32
    %broadcast_in_dim3A_724 = vector.broadcast %jit3A_723 : f32 to vector<16xf32>
    %select_n3A_725 = arith.select %eq3A_722, %broadcast_in_dim3A_724, %get3A_687 : vector<16xi1>, vector<16xf32>
    %eq3A_726 = arith.constant 1 : i32
    %eq3A_727 = vector.broadcast %eq3A_726 : i32 to vector<16xi32>
    %eq3A_728 = arith.cmpi eq, %select_n3A_719, %eq3A_727 : vector<16xi32>
    %jit3A_729 = arith.constant -1.000000e+30 : f32
    %broadcast_in_dim3A_730 = vector.broadcast %jit3A_729 : f32 to vector<16xf32>
    %select_n3A_731 = arith.select %eq3A_728, %broadcast_in_dim3A_730, %get3A_692 : vector<16xi1>, vector<16xf32>
    %eq3A_732 = arith.constant 2 : i32
    %eq3A_733 = vector.broadcast %eq3A_732 : i32 to vector<16xi32>
    %eq3A_734 = arith.cmpi eq, %select_n3A_719, %eq3A_733 : vector<16xi32>
    %jit3A_735 = arith.constant -1.000000e+30 : f32
    %broadcast_in_dim3A_736 = vector.broadcast %jit3A_735 : f32 to vector<16xf32>
    %select_n3A_737 = arith.select %eq3A_734, %broadcast_in_dim3A_736, %get3A_697 : vector<16xi1>, vector<16xf32>
    %eq3A_738 = arith.constant 3 : i32
    %eq3A_739 = vector.broadcast %eq3A_738 : i32 to vector<16xi32>
    %eq3A_740 = arith.cmpi eq, %select_n3A_719, %eq3A_739 : vector<16xi32>
    %jit3A_741 = arith.constant -1.000000e+30 : f32
    %broadcast_in_dim3A_742 = vector.broadcast %jit3A_741 : f32 to vector<16xf32>
    %select_n3A_743 = arith.select %eq3A_740, %broadcast_in_dim3A_742, %get3A_702 : vector<16xi1>, vector<16xf32>
    %max3A_744 = arith.maximumf %select_n3A_725, %select_n3A_731 : vector<16xf32>
    %max3A_745 = arith.maximumf %select_n3A_737, %select_n3A_743 : vector<16xf32>
    %max3A_746 = arith.maximumf %max3A_744, %max3A_745 : vector<16xf32>
    %eq3A_747 = arith.cmpf oeq, %select_n3A_725, %max3A_746 : vector<16xf32>
    %eq3A_748 = arith.cmpf oeq, %select_n3A_731, %max3A_746 : vector<16xf32>
    %eq3A_749 = arith.cmpf oeq, %select_n3A_737, %max3A_746 : vector<16xf32>
    %jit3A_750 = arith.constant 2 : i32
    %jit3A_751 = arith.constant 3 : i32
    %broadcast_in_dim3A_752 = vector.broadcast %jit3A_750 : i32 to vector<16xi32>
    %broadcast_in_dim3A_753 = vector.broadcast %jit3A_751 : i32 to vector<16xi32>
    %select_n3A_754 = arith.select %eq3A_749, %broadcast_in_dim3A_752, %broadcast_in_dim3A_753 : vector<16xi1>, vector<16xi32>
    %jit3A_755 = arith.constant 1 : i32
    %broadcast_in_dim3A_756 = vector.broadcast %jit3A_755 : i32 to vector<16xi32>
    %select_n3A_757 = arith.select %eq3A_748, %broadcast_in_dim3A_756, %select_n3A_754 : vector<16xi1>, vector<16xi32>
    %jit3A_758 = arith.constant 0 : i32
    %broadcast_in_dim3A_759 = vector.broadcast %jit3A_758 : i32 to vector<16xi32>
    %select_n3A_760 = arith.select %eq3A_747, %broadcast_in_dim3A_759, %select_n3A_757 : vector<16xi1>, vector<16xi32>
    %sub3A_761 = arith.subf %max3A_746, %max3A_705 : vector<16xf32>
    %exp3A_762 = math.exp %sub3A_761 : vector<16xf32>
    %add3A_763 = arith.constant 1.000000e+00 : f32
    %add3A_764 = vector.broadcast %add3A_763 : f32 to vector<16xf32>
    %add3A_765 = arith.addf %add3A_764, %exp3A_762 : vector<16xf32>
    %div3A_766 = arith.constant 1.000000e+00 : f32
    %div3A_767 = vector.broadcast %div3A_766 : f32 to vector<16xf32>
    %div3A_768 = arith.divf %div3A_767, %add3A_765 : vector<16xf32>
    %div3A_769 = arith.divf %exp3A_762, %add3A_765 : vector<16xf32>
    %eq3A_770 = arith.constant 0 : i32
    %eq3A_771 = vector.broadcast %eq3A_770 : i32 to vector<16xi32>
    %eq3A_772 = arith.cmpi eq, %select_n3A_719, %eq3A_771 : vector<16xi32>
    %jit3A_773 = arith.constant 0.000000e+00 : f32
    %broadcast_in_dim3A_774 = vector.broadcast %jit3A_773 : f32 to vector<16xf32>
    %select_n3A_775 = arith.select %eq3A_772, %div3A_768, %broadcast_in_dim3A_774 : vector<16xi1>, vector<16xf32>
    %eq3A_776 = arith.constant 0 : i32
    %eq3A_777 = vector.broadcast %eq3A_776 : i32 to vector<16xi32>
    %eq3A_778 = arith.cmpi eq, %select_n3A_760, %eq3A_777 : vector<16xi32>
    %jit3A_779 = arith.constant 0.000000e+00 : f32
    %broadcast_in_dim3A_780 = vector.broadcast %jit3A_779 : f32 to vector<16xf32>
    %select_n3A_781 = arith.select %eq3A_778, %div3A_769, %broadcast_in_dim3A_780 : vector<16xi1>, vector<16xf32>
    %add3A_782 = arith.addf %select_n3A_775, %select_n3A_781 : vector<16xf32>
    %mul3A_783 = arith.mulf %add3A_782, %div3A_681 : vector<16xf32>
    %swap3A_784 = arith.constant 32 : index
    %swap3A_785 = tpu.vector_load %arg5[%swap3A_784] {strides = array<i32>} : memref<512xf32, #tpu.memory_space<vmem>>, vector<16xf32>,
    %swap3A_786 = vector.shape_cast %swap3A_785 : vector<16xf32> to vector<16xf32>
    %swap3A_787 = vector.shape_cast %mul3A_783 : vector<16xf32> to vector<16xf32>
    tpu.vector_store %arg5[%swap3A_784], %swap3A_787 {strides = array<i32>} : memref<512xf32, #tpu.memory_space<vmem>>, vector<16xf32>,
    %eq3A_788 = arith.constant 1 : i32
    %eq3A_789 = vector.broadcast %eq3A_788 : i32 to vector<16xi32>
    %eq3A_790 = arith.cmpi eq, %select_n3A_719, %eq3A_789 : vector<16xi32>
    %jit3A_791 = arith.constant 0.000000e+00 : f32
    %broadcast_in_dim3A_792 = vector.broadcast %jit3A_791 : f32 to vector<16xf32>
    %select_n3A_793 = arith.select %eq3A_790, %div3A_768, %broadcast_in_dim3A_792 : vector<16xi1>, vector<16xf32>
    %eq3A_794 = arith.constant 1 : i32
    %eq3A_795 = vector.broadcast %eq3A_794 : i32 to vector<16xi32>
    %eq3A_796 = arith.cmpi eq, %select_n3A_760, %eq3A_795 : vector<16xi32>
    %jit3A_797 = arith.constant 0.000000e+00 : f32
    %broadcast_in_dim3A_798 = vector.broadcast %jit3A_797 : f32 to vector<16xf32>
    %select_n3A_799 = arith.select %eq3A_796, %div3A_769, %broadcast_in_dim3A_798 : vector<16xi1>, vector<16xf32>
    %add3A_800 = arith.addf %select_n3A_793, %select_n3A_799 : vector<16xf32>
    %mul3A_801 = arith.mulf %add3A_800, %div3A_681 : vector<16xf32>
    %swap3A_802 = arith.constant 96 : index
    %swap3A_803 = tpu.vector_load %arg5[%swap3A_802] {strides = array<i32>} : memref<512xf32, #tpu.memory_space<vmem>>, vector<16xf32>,
    %swap3A_804 = vector.shape_cast %swap3A_803 : vector<16xf32> to vector<16xf32>
    %swap3A_805 = vector.shape_cast %mul3A_801 : vector<16xf32> to vector<16xf32>
    tpu.vector_store %arg5[%swap3A_802], %swap3A_805 {strides = array<i32>} : memref<512xf32, #tpu.memory_space<vmem>>, vector<16xf32>,
    %eq3A_806 = arith.constant 2 : i32
    %eq3A_807 = vector.broadcast %eq3A_806 : i32 to vector<16xi32>
    %eq3A_808 = arith.cmpi eq, %select_n3A_719, %eq3A_807 : vector<16xi32>
    %jit3A_809 = arith.constant 0.000000e+00 : f32
    %broadcast_in_dim3A_810 = vector.broadcast %jit3A_809 : f32 to vector<16xf32>
    %select_n3A_811 = arith.select %eq3A_808, %div3A_768, %broadcast_in_dim3A_810 : vector<16xi1>, vector<16xf32>
    %eq3A_812 = arith.constant 2 : i32
    %eq3A_813 = vector.broadcast %eq3A_812 : i32 to vector<16xi32>
    %eq3A_814 = arith.cmpi eq, %select_n3A_760, %eq3A_813 : vector<16xi32>
    %jit3A_815 = arith.constant 0.000000e+00 : f32
    %broadcast_in_dim3A_816 = vector.broadcast %jit3A_815 : f32 to vector<16xf32>
    %select_n3A_817 = arith.select %eq3A_814, %div3A_769, %broadcast_in_dim3A_816 : vector<16xi1>, vector<16xf32>
    %add3A_818 = arith.addf %select_n3A_811, %select_n3A_817 : vector<16xf32>
    %mul3A_819 = arith.mulf %add3A_818, %div3A_681 : vector<16xf32>
    %swap3A_820 = arith.constant 160 : index
    %swap3A_821 = tpu.vector_load %arg5[%swap3A_820] {strides = array<i32>} : memref<512xf32, #tpu.memory_space<vmem>>, vector<16xf32>,
    %swap3A_822 = vector.shape_cast %swap3A_821 : vector<16xf32> to vector<16xf32>
    %swap3A_823 = vector.shape_cast %mul3A_819 : vector<16xf32> to vector<16xf32>
    tpu.vector_store %arg5[%swap3A_820], %swap3A_823 {strides = array<i32>} : memref<512xf32, #tpu.memory_space<vmem>>, vector<16xf32>,
    %eq3A_824 = arith.constant 3 : i32
    %eq3A_825 = vector.broadcast %eq3A_824 : i32 to vector<16xi32>
    %eq3A_826 = arith.cmpi eq, %select_n3A_719, %eq3A_825 : vector<16xi32>
    %jit3A_827 = arith.constant 0.000000e+00 : f32
    %broadcast_in_dim3A_828 = vector.broadcast %jit3A_827 : f32 to vector<16xf32>
    %select_n3A_829 = arith.select %eq3A_826, %div3A_768, %broadcast_in_dim3A_828 : vector<16xi1>, vector<16xf32>
    %eq3A_830 = arith.constant 3 : i32
    %eq3A_831 = vector.broadcast %eq3A_830 : i32 to vector<16xi32>
    %eq3A_832 = arith.cmpi eq, %select_n3A_760, %eq3A_831 : vector<16xi32>
    %jit3A_833 = arith.constant 0.000000e+00 : f32
    %broadcast_in_dim3A_834 = vector.broadcast %jit3A_833 : f32 to vector<16xf32>
    %select_n3A_835 = arith.select %eq3A_832, %div3A_769, %broadcast_in_dim3A_834 : vector<16xi1>, vector<16xf32>
    %add3A_836 = arith.addf %select_n3A_829, %select_n3A_835 : vector<16xf32>
    %mul3A_837 = arith.mulf %add3A_836, %div3A_681 : vector<16xf32>
    %swap3A_838 = arith.constant 224 : index
    %swap3A_839 = tpu.vector_load %arg5[%swap3A_838] {strides = array<i32>} : memref<512xf32, #tpu.memory_space<vmem>>, vector<16xf32>,
    %swap3A_840 = vector.shape_cast %swap3A_839 : vector<16xf32> to vector<16xf32>
    %swap3A_841 = vector.shape_cast %mul3A_837 : vector<16xf32> to vector<16xf32>
    tpu.vector_store %arg5[%swap3A_838], %swap3A_841 {strides = array<i32>} : memref<512xf32, #tpu.memory_space<vmem>>, vector<16xf32>,
    %get3A_842 = arith.constant 6 : i32
    %get3A_843 = arith.index_cast %get3A_842 : i32 to index
    %get3A_844 = arith.constant 32 : index
    %get3A_845 = tpu.vector_load %arg4[%get3A_843, %get3A_844] {strides = array<i32>} : memref<16x64xf32, #tpu.memory_space<vmem>>, vector<1x16xf32>,
    %get3A_846 = vector.shape_cast %get3A_845 : vector<1x16xf32> to vector<16xf32>
    %get3A_847 = arith.constant 7 : i32
    %get3A_848 = arith.index_cast %get3A_847 : i32 to index
    %get3A_849 = arith.constant 32 : index
    %get3A_850 = tpu.vector_load %arg4[%get3A_848, %get3A_849] {strides = array<i32>} : memref<16x64xf32, #tpu.memory_space<vmem>>, vector<1x16xf32>,
    %get3A_851 = vector.shape_cast %get3A_850 : vector<1x16xf32> to vector<16xf32>
    %get3A_852 = arith.constant 8 : i32
    %get3A_853 = arith.index_cast %get3A_852 : i32 to index
    %get3A_854 = arith.constant 32 : index
    %get3A_855 = tpu.vector_load %arg4[%get3A_853, %get3A_854] {strides = array<i32>} : memref<16x64xf32, #tpu.memory_space<vmem>>, vector<1x16xf32>,
    %get3A_856 = vector.shape_cast %get3A_855 : vector<1x16xf32> to vector<16xf32>
    %get3A_857 = arith.constant 9 : i32
    %get3A_858 = arith.index_cast %get3A_857 : i32 to index
    %get3A_859 = arith.constant 32 : index
    %get3A_860 = tpu.vector_load %arg4[%get3A_858, %get3A_859] {strides = array<i32>} : memref<16x64xf32, #tpu.memory_space<vmem>>, vector<1x16xf32>,
    %get3A_861 = vector.shape_cast %get3A_860 : vector<1x16xf32> to vector<16xf32>
    %max3A_862 = arith.maximumf %get3A_846, %get3A_851 : vector<16xf32>
    %max3A_863 = arith.maximumf %get3A_856, %get3A_861 : vector<16xf32>
    %max3A_864 = arith.maximumf %max3A_862, %max3A_863 : vector<16xf32>
    %eq3A_865 = arith.cmpf oeq, %get3A_846, %max3A_864 : vector<16xf32>
    %eq3A_866 = arith.cmpf oeq, %get3A_851, %max3A_864 : vector<16xf32>
    %eq3A_867 = arith.cmpf oeq, %get3A_856, %max3A_864 : vector<16xf32>
    %jit3A_868 = arith.constant 2 : i32
    %jit3A_869 = arith.constant 3 : i32
    %broadcast_in_dim3A_870 = vector.broadcast %jit3A_868 : i32 to vector<16xi32>
    %broadcast_in_dim3A_871 = vector.broadcast %jit3A_869 : i32 to vector<16xi32>
    %select_n3A_872 = arith.select %eq3A_867, %broadcast_in_dim3A_870, %broadcast_in_dim3A_871 : vector<16xi1>, vector<16xi32>
    %jit3A_873 = arith.constant 1 : i32
    %broadcast_in_dim3A_874 = vector.broadcast %jit3A_873 : i32 to vector<16xi32>
    %select_n3A_875 = arith.select %eq3A_866, %broadcast_in_dim3A_874, %select_n3A_872 : vector<16xi1>, vector<16xi32>
    %jit3A_876 = arith.constant 0 : i32
    %broadcast_in_dim3A_877 = vector.broadcast %jit3A_876 : i32 to vector<16xi32>
    %select_n3A_878 = arith.select %eq3A_865, %broadcast_in_dim3A_877, %select_n3A_875 : vector<16xi1>, vector<16xi32>
    %eq3A_879 = arith.constant 0 : i32
    %eq3A_880 = vector.broadcast %eq3A_879 : i32 to vector<16xi32>
    %eq3A_881 = arith.cmpi eq, %select_n3A_878, %eq3A_880 : vector<16xi32>
    %jit3A_882 = arith.constant -1.000000e+30 : f32
    %broadcast_in_dim3A_883 = vector.broadcast %jit3A_882 : f32 to vector<16xf32>
    %select_n3A_884 = arith.select %eq3A_881, %broadcast_in_dim3A_883, %get3A_846 : vector<16xi1>, vector<16xf32>
    %eq3A_885 = arith.constant 1 : i32
    %eq3A_886 = vector.broadcast %eq3A_885 : i32 to vector<16xi32>
    %eq3A_887 = arith.cmpi eq, %select_n3A_878, %eq3A_886 : vector<16xi32>
    %jit3A_888 = arith.constant -1.000000e+30 : f32
    %broadcast_in_dim3A_889 = vector.broadcast %jit3A_888 : f32 to vector<16xf32>
    %select_n3A_890 = arith.select %eq3A_887, %broadcast_in_dim3A_889, %get3A_851 : vector<16xi1>, vector<16xf32>
    %eq3A_891 = arith.constant 2 : i32
    %eq3A_892 = vector.broadcast %eq3A_891 : i32 to vector<16xi32>
    %eq3A_893 = arith.cmpi eq, %select_n3A_878, %eq3A_892 : vector<16xi32>
    %jit3A_894 = arith.constant -1.000000e+30 : f32
    %broadcast_in_dim3A_895 = vector.broadcast %jit3A_894 : f32 to vector<16xf32>
    %select_n3A_896 = arith.select %eq3A_893, %broadcast_in_dim3A_895, %get3A_856 : vector<16xi1>, vector<16xf32>
    %eq3A_897 = arith.constant 3 : i32
    %eq3A_898 = vector.broadcast %eq3A_897 : i32 to vector<16xi32>
    %eq3A_899 = arith.cmpi eq, %select_n3A_878, %eq3A_898 : vector<16xi32>
    %jit3A_900 = arith.constant -1.000000e+30 : f32
    %broadcast_in_dim3A_901 = vector.broadcast %jit3A_900 : f32 to vector<16xf32>
    %select_n3A_902 = arith.select %eq3A_899, %broadcast_in_dim3A_901, %get3A_861 : vector<16xi1>, vector<16xf32>
    %max3A_903 = arith.maximumf %select_n3A_884, %select_n3A_890 : vector<16xf32>
    %max3A_904 = arith.maximumf %select_n3A_896, %select_n3A_902 : vector<16xf32>
    %max3A_905 = arith.maximumf %max3A_903, %max3A_904 : vector<16xf32>
    %eq3A_906 = arith.cmpf oeq, %select_n3A_884, %max3A_905 : vector<16xf32>
    %eq3A_907 = arith.cmpf oeq, %select_n3A_890, %max3A_905 : vector<16xf32>
    %eq3A_908 = arith.cmpf oeq, %select_n3A_896, %max3A_905 : vector<16xf32>
    %jit3A_909 = arith.constant 2 : i32
    %jit3A_910 = arith.constant 3 : i32
    %broadcast_in_dim3A_911 = vector.broadcast %jit3A_909 : i32 to vector<16xi32>
    %broadcast_in_dim3A_912 = vector.broadcast %jit3A_910 : i32 to vector<16xi32>
    %select_n3A_913 = arith.select %eq3A_908, %broadcast_in_dim3A_911, %broadcast_in_dim3A_912 : vector<16xi1>, vector<16xi32>
    %jit3A_914 = arith.constant 1 : i32
    %broadcast_in_dim3A_915 = vector.broadcast %jit3A_914 : i32 to vector<16xi32>
    %select_n3A_916 = arith.select %eq3A_907, %broadcast_in_dim3A_915, %select_n3A_913 : vector<16xi1>, vector<16xi32>
    %jit3A_917 = arith.constant 0 : i32
    %broadcast_in_dim3A_918 = vector.broadcast %jit3A_917 : i32 to vector<16xi32>
    %select_n3A_919 = arith.select %eq3A_906, %broadcast_in_dim3A_918, %select_n3A_916 : vector<16xi1>, vector<16xi32>
    %sub3A_920 = arith.subf %max3A_905, %max3A_864 : vector<16xf32>
    %exp3A_921 = math.exp %sub3A_920 : vector<16xf32>
    %add3A_922 = arith.constant 1.000000e+00 : f32
    %add3A_923 = vector.broadcast %add3A_922 : f32 to vector<16xf32>
    %add3A_924 = arith.addf %add3A_923, %exp3A_921 : vector<16xf32>
    %div3A_925 = arith.constant 1.000000e+00 : f32
    %div3A_926 = vector.broadcast %div3A_925 : f32 to vector<16xf32>
    %div3A_927 = arith.divf %div3A_926, %add3A_924 : vector<16xf32>
    %div3A_928 = arith.divf %exp3A_921, %add3A_924 : vector<16xf32>
    %eq3A_929 = arith.constant 0 : i32
    %eq3A_930 = vector.broadcast %eq3A_929 : i32 to vector<16xi32>
    %eq3A_931 = arith.cmpi eq, %select_n3A_878, %eq3A_930 : vector<16xi32>
    %jit3A_932 = arith.constant 0.000000e+00 : f32
    %broadcast_in_dim3A_933 = vector.broadcast %jit3A_932 : f32 to vector<16xf32>
    %select_n3A_934 = arith.select %eq3A_931, %div3A_927, %broadcast_in_dim3A_933 : vector<16xi1>, vector<16xf32>
    %eq3A_935 = arith.constant 0 : i32
    %eq3A_936 = vector.broadcast %eq3A_935 : i32 to vector<16xi32>
    %eq3A_937 = arith.cmpi eq, %select_n3A_919, %eq3A_936 : vector<16xi32>
    %jit3A_938 = arith.constant 0.000000e+00 : f32
    %broadcast_in_dim3A_939 = vector.broadcast %jit3A_938 : f32 to vector<16xf32>
    %select_n3A_940 = arith.select %eq3A_937, %div3A_928, %broadcast_in_dim3A_939 : vector<16xi1>, vector<16xf32>
    %add3A_941 = arith.addf %select_n3A_934, %select_n3A_940 : vector<16xf32>
    %mul3A_942 = arith.mulf %add3A_941, %div3A_682 : vector<16xf32>
    %swap3A_943 = arith.constant 288 : index
    %swap3A_944 = tpu.vector_load %arg5[%swap3A_943] {strides = array<i32>} : memref<512xf32, #tpu.memory_space<vmem>>, vector<16xf32>,
    %swap3A_945 = vector.shape_cast %swap3A_944 : vector<16xf32> to vector<16xf32>
    %swap3A_946 = vector.shape_cast %mul3A_942 : vector<16xf32> to vector<16xf32>
    tpu.vector_store %arg5[%swap3A_943], %swap3A_946 {strides = array<i32>} : memref<512xf32, #tpu.memory_space<vmem>>, vector<16xf32>,
    %eq3A_947 = arith.constant 1 : i32
    %eq3A_948 = vector.broadcast %eq3A_947 : i32 to vector<16xi32>
    %eq3A_949 = arith.cmpi eq, %select_n3A_878, %eq3A_948 : vector<16xi32>
    %jit3A_950 = arith.constant 0.000000e+00 : f32
    %broadcast_in_dim3A_951 = vector.broadcast %jit3A_950 : f32 to vector<16xf32>
    %select_n3A_952 = arith.select %eq3A_949, %div3A_927, %broadcast_in_dim3A_951 : vector<16xi1>, vector<16xf32>
    %eq3A_953 = arith.constant 1 : i32
    %eq3A_954 = vector.broadcast %eq3A_953 : i32 to vector<16xi32>
    %eq3A_955 = arith.cmpi eq, %select_n3A_919, %eq3A_954 : vector<16xi32>
    %jit3A_956 = arith.constant 0.000000e+00 : f32
    %broadcast_in_dim3A_957 = vector.broadcast %jit3A_956 : f32 to vector<16xf32>
    %select_n3A_958 = arith.select %eq3A_955, %div3A_928, %broadcast_in_dim3A_957 : vector<16xi1>, vector<16xf32>
    %add3A_959 = arith.addf %select_n3A_952, %select_n3A_958 : vector<16xf32>
    %mul3A_960 = arith.mulf %add3A_959, %div3A_682 : vector<16xf32>
    %swap3A_961 = arith.constant 352 : index
    %swap3A_962 = tpu.vector_load %arg5[%swap3A_961] {strides = array<i32>} : memref<512xf32, #tpu.memory_space<vmem>>, vector<16xf32>,
    %swap3A_963 = vector.shape_cast %swap3A_962 : vector<16xf32> to vector<16xf32>
    %swap3A_964 = vector.shape_cast %mul3A_960 : vector<16xf32> to vector<16xf32>
    tpu.vector_store %arg5[%swap3A_961], %swap3A_964 {strides = array<i32>} : memref<512xf32, #tpu.memory_space<vmem>>, vector<16xf32>,
    %eq3A_965 = arith.constant 2 : i32
    %eq3A_966 = vector.broadcast %eq3A_965 : i32 to vector<16xi32>
    %eq3A_967 = arith.cmpi eq, %select_n3A_878, %eq3A_966 : vector<16xi32>
    %jit3A_968 = arith.constant 0.000000e+00 : f32
    %broadcast_in_dim3A_969 = vector.broadcast %jit3A_968 : f32 to vector<16xf32>
    %select_n3A_970 = arith.select %eq3A_967, %div3A_927, %broadcast_in_dim3A_969 : vector<16xi1>, vector<16xf32>
    %eq3A_971 = arith.constant 2 : i32
    %eq3A_972 = vector.broadcast %eq3A_971 : i32 to vector<16xi32>
    %eq3A_973 = arith.cmpi eq, %select_n3A_919, %eq3A_972 : vector<16xi32>
    %jit3A_974 = arith.constant 0.000000e+00 : f32
    %broadcast_in_dim3A_975 = vector.broadcast %jit3A_974 : f32 to vector<16xf32>
    %select_n3A_976 = arith.select %eq3A_973, %div3A_928, %broadcast_in_dim3A_975 : vector<16xi1>, vector<16xf32>
    %add3A_977 = arith.addf %select_n3A_970, %select_n3A_976 : vector<16xf32>
    %mul3A_978 = arith.mulf %add3A_977, %div3A_682 : vector<16xf32>
    %swap3A_979 = arith.constant 416 : index
    %swap3A_980 = tpu.vector_load %arg5[%swap3A_979] {strides = array<i32>} : memref<512xf32, #tpu.memory_space<vmem>>, vector<16xf32>,
    %swap3A_981 = vector.shape_cast %swap3A_980 : vector<16xf32> to vector<16xf32>
    %swap3A_982 = vector.shape_cast %mul3A_978 : vector<16xf32> to vector<16xf32>
    tpu.vector_store %arg5[%swap3A_979], %swap3A_982 {strides = array<i32>} : memref<512xf32, #tpu.memory_space<vmem>>, vector<16xf32>,
    %eq3A_983 = arith.constant 3 : i32
    %eq3A_984 = vector.broadcast %eq3A_983 : i32 to vector<16xi32>
    %eq3A_985 = arith.cmpi eq, %select_n3A_878, %eq3A_984 : vector<16xi32>
    %jit3A_986 = arith.constant 0.000000e+00 : f32
    %broadcast_in_dim3A_987 = vector.broadcast %jit3A_986 : f32 to vector<16xf32>
    %select_n3A_988 = arith.select %eq3A_985, %div3A_927, %broadcast_in_dim3A_987 : vector<16xi1>, vector<16xf32>
    %eq3A_989 = arith.constant 3 : i32
    %eq3A_990 = vector.broadcast %eq3A_989 : i32 to vector<16xi32>
    %eq3A_991 = arith.cmpi eq, %select_n3A_919, %eq3A_990 : vector<16xi32>
    %jit3A_992 = arith.constant 0.000000e+00 : f32
    %broadcast_in_dim3A_993 = vector.broadcast %jit3A_992 : f32 to vector<16xf32>
    %select_n3A_994 = arith.select %eq3A_991, %div3A_928, %broadcast_in_dim3A_993 : vector<16xi1>, vector<16xf32>
    %add3A_995 = arith.addf %select_n3A_988, %select_n3A_994 : vector<16xf32>
    %mul3A_996 = arith.mulf %add3A_995, %div3A_682 : vector<16xf32>
    %swap3A_997 = arith.constant 480 : index
    %swap3A_998 = tpu.vector_load %arg5[%swap3A_997] {strides = array<i32>} : memref<512xf32, #tpu.memory_space<vmem>>, vector<16xf32>,
    %swap3A_999 = vector.shape_cast %swap3A_998 : vector<16xf32> to vector<16xf32>
    %swap3A_1000 = vector.shape_cast %mul3A_996 : vector<16xf32> to vector<16xf32>
    tpu.vector_store %arg5[%swap3A_997], %swap3A_1000 {strides = array<i32>} : memref<512xf32, #tpu.memory_space<vmem>>, vector<16xf32>,
    %get3A_1001 = arith.constant 0 : i32
    %get3A_1002 = arith.index_cast %get3A_1001 : i32 to index
    %get3A_1003 = arith.constant 48 : index
    %get3A_1004 = tpu.vector_load %arg4[%get3A_1002, %get3A_1003] {strides = array<i32>} : memref<16x64xf32, #tpu.memory_space<vmem>>, vector<1x16xf32>,
    %get3A_1005 = vector.shape_cast %get3A_1004 : vector<1x16xf32> to vector<16xf32>
    %get3A_1006 = arith.constant 1 : i32
    %get3A_1007 = arith.index_cast %get3A_1006 : i32 to index
    %get3A_1008 = arith.constant 48 : index
    %get3A_1009 = tpu.vector_load %arg4[%get3A_1007, %get3A_1008] {strides = array<i32>} : memref<16x64xf32, #tpu.memory_space<vmem>>, vector<1x16xf32>,
    %get3A_1010 = vector.shape_cast %get3A_1009 : vector<1x16xf32> to vector<16xf32>
    %max3A_1011 = arith.maximumf %get3A_1005, %get3A_1010 : vector<16xf32>
    %sub3A_1012 = arith.subf %get3A_1005, %max3A_1011 : vector<16xf32>
    %exp3A_1013 = math.exp %sub3A_1012 : vector<16xf32>
    %sub3A_1014 = arith.subf %get3A_1010, %max3A_1011 : vector<16xf32>
    %exp3A_1015 = math.exp %sub3A_1014 : vector<16xf32>
    %add3A_1016 = arith.addf %exp3A_1013, %exp3A_1015 : vector<16xf32>
    %div3A_1017 = arith.divf %exp3A_1013, %add3A_1016 : vector<16xf32>
    %div3A_1018 = arith.divf %exp3A_1015, %add3A_1016 : vector<16xf32>
    %get3A_1019 = arith.constant 2 : i32
    %get3A_1020 = arith.index_cast %get3A_1019 : i32 to index
    %get3A_1021 = arith.constant 48 : index
    %get3A_1022 = tpu.vector_load %arg4[%get3A_1020, %get3A_1021] {strides = array<i32>} : memref<16x64xf32, #tpu.memory_space<vmem>>, vector<1x16xf32>,
    %get3A_1023 = vector.shape_cast %get3A_1022 : vector<1x16xf32> to vector<16xf32>
    %get3A_1024 = arith.constant 3 : i32
    %get3A_1025 = arith.index_cast %get3A_1024 : i32 to index
    %get3A_1026 = arith.constant 48 : index
    %get3A_1027 = tpu.vector_load %arg4[%get3A_1025, %get3A_1026] {strides = array<i32>} : memref<16x64xf32, #tpu.memory_space<vmem>>, vector<1x16xf32>,
    %get3A_1028 = vector.shape_cast %get3A_1027 : vector<1x16xf32> to vector<16xf32>
    %get3A_1029 = arith.constant 4 : i32
    %get3A_1030 = arith.index_cast %get3A_1029 : i32 to index
    %get3A_1031 = arith.constant 48 : index
    %get3A_1032 = tpu.vector_load %arg4[%get3A_1030, %get3A_1031] {strides = array<i32>} : memref<16x64xf32, #tpu.memory_space<vmem>>, vector<1x16xf32>,
    %get3A_1033 = vector.shape_cast %get3A_1032 : vector<1x16xf32> to vector<16xf32>
    %get3A_1034 = arith.constant 5 : i32
    %get3A_1035 = arith.index_cast %get3A_1034 : i32 to index
    %get3A_1036 = arith.constant 48 : index
    %get3A_1037 = tpu.vector_load %arg4[%get3A_1035, %get3A_1036] {strides = array<i32>} : memref<16x64xf32, #tpu.memory_space<vmem>>, vector<1x16xf32>,
    %get3A_1038 = vector.shape_cast %get3A_1037 : vector<1x16xf32> to vector<16xf32>
    %max3A_1039 = arith.maximumf %get3A_1023, %get3A_1028 : vector<16xf32>
    %max3A_1040 = arith.maximumf %get3A_1033, %get3A_1038 : vector<16xf32>
    %max3A_1041 = arith.maximumf %max3A_1039, %max3A_1040 : vector<16xf32>
    %eq3A_1042 = arith.cmpf oeq, %get3A_1023, %max3A_1041 : vector<16xf32>
    %eq3A_1043 = arith.cmpf oeq, %get3A_1028, %max3A_1041 : vector<16xf32>
    %eq3A_1044 = arith.cmpf oeq, %get3A_1033, %max3A_1041 : vector<16xf32>
    %jit3A_1045 = arith.constant 2 : i32
    %jit3A_1046 = arith.constant 3 : i32
    %broadcast_in_dim3A_1047 = vector.broadcast %jit3A_1045 : i32 to vector<16xi32>
    %broadcast_in_dim3A_1048 = vector.broadcast %jit3A_1046 : i32 to vector<16xi32>
    %select_n3A_1049 = arith.select %eq3A_1044, %broadcast_in_dim3A_1047, %broadcast_in_dim3A_1048 : vector<16xi1>, vector<16xi32>
    %jit3A_1050 = arith.constant 1 : i32
    %broadcast_in_dim3A_1051 = vector.broadcast %jit3A_1050 : i32 to vector<16xi32>
    %select_n3A_1052 = arith.select %eq3A_1043, %broadcast_in_dim3A_1051, %select_n3A_1049 : vector<16xi1>, vector<16xi32>
    %jit3A_1053 = arith.constant 0 : i32
    %broadcast_in_dim3A_1054 = vector.broadcast %jit3A_1053 : i32 to vector<16xi32>
    %select_n3A_1055 = arith.select %eq3A_1042, %broadcast_in_dim3A_1054, %select_n3A_1052 : vector<16xi1>, vector<16xi32>
    %eq3A_1056 = arith.constant 0 : i32
    %eq3A_1057 = vector.broadcast %eq3A_1056 : i32 to vector<16xi32>
    %eq3A_1058 = arith.cmpi eq, %select_n3A_1055, %eq3A_1057 : vector<16xi32>
    %jit3A_1059 = arith.constant -1.000000e+30 : f32
    %broadcast_in_dim3A_1060 = vector.broadcast %jit3A_1059 : f32 to vector<16xf32>
    %select_n3A_1061 = arith.select %eq3A_1058, %broadcast_in_dim3A_1060, %get3A_1023 : vector<16xi1>, vector<16xf32>
    %eq3A_1062 = arith.constant 1 : i32
    %eq3A_1063 = vector.broadcast %eq3A_1062 : i32 to vector<16xi32>
    %eq3A_1064 = arith.cmpi eq, %select_n3A_1055, %eq3A_1063 : vector<16xi32>
    %jit3A_1065 = arith.constant -1.000000e+30 : f32
    %broadcast_in_dim3A_1066 = vector.broadcast %jit3A_1065 : f32 to vector<16xf32>
    %select_n3A_1067 = arith.select %eq3A_1064, %broadcast_in_dim3A_1066, %get3A_1028 : vector<16xi1>, vector<16xf32>
    %eq3A_1068 = arith.constant 2 : i32
    %eq3A_1069 = vector.broadcast %eq3A_1068 : i32 to vector<16xi32>
    %eq3A_1070 = arith.cmpi eq, %select_n3A_1055, %eq3A_1069 : vector<16xi32>
    %jit3A_1071 = arith.constant -1.000000e+30 : f32
    %broadcast_in_dim3A_1072 = vector.broadcast %jit3A_1071 : f32 to vector<16xf32>
    %select_n3A_1073 = arith.select %eq3A_1070, %broadcast_in_dim3A_1072, %get3A_1033 : vector<16xi1>, vector<16xf32>
    %eq3A_1074 = arith.constant 3 : i32
    %eq3A_1075 = vector.broadcast %eq3A_1074 : i32 to vector<16xi32>
    %eq3A_1076 = arith.cmpi eq, %select_n3A_1055, %eq3A_1075 : vector<16xi32>
    %jit3A_1077 = arith.constant -1.000000e+30 : f32
    %broadcast_in_dim3A_1078 = vector.broadcast %jit3A_1077 : f32 to vector<16xf32>
    %select_n3A_1079 = arith.select %eq3A_1076, %broadcast_in_dim3A_1078, %get3A_1038 : vector<16xi1>, vector<16xf32>
    %max3A_1080 = arith.maximumf %select_n3A_1061, %select_n3A_1067 : vector<16xf32>
    %max3A_1081 = arith.maximumf %select_n3A_1073, %select_n3A_1079 : vector<16xf32>
    %max3A_1082 = arith.maximumf %max3A_1080, %max3A_1081 : vector<16xf32>
    %eq3A_1083 = arith.cmpf oeq, %select_n3A_1061, %max3A_1082 : vector<16xf32>
    %eq3A_1084 = arith.cmpf oeq, %select_n3A_1067, %max3A_1082 : vector<16xf32>
    %eq3A_1085 = arith.cmpf oeq, %select_n3A_1073, %max3A_1082 : vector<16xf32>
    %jit3A_1086 = arith.constant 2 : i32
    %jit3A_1087 = arith.constant 3 : i32
    %broadcast_in_dim3A_1088 = vector.broadcast %jit3A_1086 : i32 to vector<16xi32>
    %broadcast_in_dim3A_1089 = vector.broadcast %jit3A_1087 : i32 to vector<16xi32>
    %select_n3A_1090 = arith.select %eq3A_1085, %broadcast_in_dim3A_1088, %broadcast_in_dim3A_1089 : vector<16xi1>, vector<16xi32>
    %jit3A_1091 = arith.constant 1 : i32
    %broadcast_in_dim3A_1092 = vector.broadcast %jit3A_1091 : i32 to vector<16xi32>
    %select_n3A_1093 = arith.select %eq3A_1084, %broadcast_in_dim3A_1092, %select_n3A_1090 : vector<16xi1>, vector<16xi32>
    %jit3A_1094 = arith.constant 0 : i32
    %broadcast_in_dim3A_1095 = vector.broadcast %jit3A_1094 : i32 to vector<16xi32>
    %select_n3A_1096 = arith.select %eq3A_1083, %broadcast_in_dim3A_1095, %select_n3A_1093 : vector<16xi1>, vector<16xi32>
    %sub3A_1097 = arith.subf %max3A_1082, %max3A_1041 : vector<16xf32>
    %exp3A_1098 = math.exp %sub3A_1097 : vector<16xf32>
    %add3A_1099 = arith.constant 1.000000e+00 : f32
    %add3A_1100 = vector.broadcast %add3A_1099 : f32 to vector<16xf32>
    %add3A_1101 = arith.addf %add3A_1100, %exp3A_1098 : vector<16xf32>
    %div3A_1102 = arith.constant 1.000000e+00 : f32
    %div3A_1103 = vector.broadcast %div3A_1102 : f32 to vector<16xf32>
    %div3A_1104 = arith.divf %div3A_1103, %add3A_1101 : vector<16xf32>
    %div3A_1105 = arith.divf %exp3A_1098, %add3A_1101 : vector<16xf32>
    %eq3A_1106 = arith.constant 0 : i32
    %eq3A_1107 = vector.broadcast %eq3A_1106 : i32 to vector<16xi32>
    %eq3A_1108 = arith.cmpi eq, %select_n3A_1055, %eq3A_1107 : vector<16xi32>
    %jit3A_1109 = arith.constant 0.000000e+00 : f32
    %broadcast_in_dim3A_1110 = vector.broadcast %jit3A_1109 : f32 to vector<16xf32>
    %select_n3A_1111 = arith.select %eq3A_1108, %div3A_1104, %broadcast_in_dim3A_1110 : vector<16xi1>, vector<16xf32>
    %eq3A_1112 = arith.constant 0 : i32
    %eq3A_1113 = vector.broadcast %eq3A_1112 : i32 to vector<16xi32>
    %eq3A_1114 = arith.cmpi eq, %select_n3A_1096, %eq3A_1113 : vector<16xi32>
    %jit3A_1115 = arith.constant 0.000000e+00 : f32
    %broadcast_in_dim3A_1116 = vector.broadcast %jit3A_1115 : f32 to vector<16xf32>
    %select_n3A_1117 = arith.select %eq3A_1114, %div3A_1105, %broadcast_in_dim3A_1116 : vector<16xi1>, vector<16xf32>
    %add3A_1118 = arith.addf %select_n3A_1111, %select_n3A_1117 : vector<16xf32>
    %mul3A_1119 = arith.mulf %add3A_1118, %div3A_1017 : vector<16xf32>
    %swap3A_1120 = arith.constant 48 : index
    %swap3A_1121 = tpu.vector_load %arg5[%swap3A_1120] {strides = array<i32>} : memref<512xf32, #tpu.memory_space<vmem>>, vector<16xf32>,
    %swap3A_1122 = vector.shape_cast %swap3A_1121 : vector<16xf32> to vector<16xf32>
    %swap3A_1123 = vector.shape_cast %mul3A_1119 : vector<16xf32> to vector<16xf32>
    tpu.vector_store %arg5[%swap3A_1120], %swap3A_1123 {strides = array<i32>} : memref<512xf32, #tpu.memory_space<vmem>>, vector<16xf32>,
    %eq3A_1124 = arith.constant 1 : i32
    %eq3A_1125 = vector.broadcast %eq3A_1124 : i32 to vector<16xi32>
    %eq3A_1126 = arith.cmpi eq, %select_n3A_1055, %eq3A_1125 : vector<16xi32>
    %jit3A_1127 = arith.constant 0.000000e+00 : f32
    %broadcast_in_dim3A_1128 = vector.broadcast %jit3A_1127 : f32 to vector<16xf32>
    %select_n3A_1129 = arith.select %eq3A_1126, %div3A_1104, %broadcast_in_dim3A_1128 : vector<16xi1>, vector<16xf32>
    %eq3A_1130 = arith.constant 1 : i32
    %eq3A_1131 = vector.broadcast %eq3A_1130 : i32 to vector<16xi32>
    %eq3A_1132 = arith.cmpi eq, %select_n3A_1096, %eq3A_1131 : vector<16xi32>
    %jit3A_1133 = arith.constant 0.000000e+00 : f32
    %broadcast_in_dim3A_1134 = vector.broadcast %jit3A_1133 : f32 to vector<16xf32>
    %select_n3A_1135 = arith.select %eq3A_1132, %div3A_1105, %broadcast_in_dim3A_1134 : vector<16xi1>, vector<16xf32>
    %add3A_1136 = arith.addf %select_n3A_1129, %select_n3A_1135 : vector<16xf32>
    %mul3A_1137 = arith.mulf %add3A_1136, %div3A_1017 : vector<16xf32>
    %swap3A_1138 = arith.constant 112 : index
    %swap3A_1139 = tpu.vector_load %arg5[%swap3A_1138] {strides = array<i32>} : memref<512xf32, #tpu.memory_space<vmem>>, vector<16xf32>,
    %swap3A_1140 = vector.shape_cast %swap3A_1139 : vector<16xf32> to vector<16xf32>
    %swap3A_1141 = vector.shape_cast %mul3A_1137 : vector<16xf32> to vector<16xf32>
    tpu.vector_store %arg5[%swap3A_1138], %swap3A_1141 {strides = array<i32>} : memref<512xf32, #tpu.memory_space<vmem>>, vector<16xf32>,
    %eq3A_1142 = arith.constant 2 : i32
    %eq3A_1143 = vector.broadcast %eq3A_1142 : i32 to vector<16xi32>
    %eq3A_1144 = arith.cmpi eq, %select_n3A_1055, %eq3A_1143 : vector<16xi32>
    %jit3A_1145 = arith.constant 0.000000e+00 : f32
    %broadcast_in_dim3A_1146 = vector.broadcast %jit3A_1145 : f32 to vector<16xf32>
    %select_n3A_1147 = arith.select %eq3A_1144, %div3A_1104, %broadcast_in_dim3A_1146 : vector<16xi1>, vector<16xf32>
    %eq3A_1148 = arith.constant 2 : i32
    %eq3A_1149 = vector.broadcast %eq3A_1148 : i32 to vector<16xi32>
    %eq3A_1150 = arith.cmpi eq, %select_n3A_1096, %eq3A_1149 : vector<16xi32>
    %jit3A_1151 = arith.constant 0.000000e+00 : f32
    %broadcast_in_dim3A_1152 = vector.broadcast %jit3A_1151 : f32 to vector<16xf32>
    %select_n3A_1153 = arith.select %eq3A_1150, %div3A_1105, %broadcast_in_dim3A_1152 : vector<16xi1>, vector<16xf32>
    %add3A_1154 = arith.addf %select_n3A_1147, %select_n3A_1153 : vector<16xf32>
    %mul3A_1155 = arith.mulf %add3A_1154, %div3A_1017 : vector<16xf32>
    %swap3A_1156 = arith.constant 176 : index
    %swap3A_1157 = tpu.vector_load %arg5[%swap3A_1156] {strides = array<i32>} : memref<512xf32, #tpu.memory_space<vmem>>, vector<16xf32>,
    %swap3A_1158 = vector.shape_cast %swap3A_1157 : vector<16xf32> to vector<16xf32>
    %swap3A_1159 = vector.shape_cast %mul3A_1155 : vector<16xf32> to vector<16xf32>
    tpu.vector_store %arg5[%swap3A_1156], %swap3A_1159 {strides = array<i32>} : memref<512xf32, #tpu.memory_space<vmem>>, vector<16xf32>,
    %eq3A_1160 = arith.constant 3 : i32
    %eq3A_1161 = vector.broadcast %eq3A_1160 : i32 to vector<16xi32>
    %eq3A_1162 = arith.cmpi eq, %select_n3A_1055, %eq3A_1161 : vector<16xi32>
    %jit3A_1163 = arith.constant 0.000000e+00 : f32
    %broadcast_in_dim3A_1164 = vector.broadcast %jit3A_1163 : f32 to vector<16xf32>
    %select_n3A_1165 = arith.select %eq3A_1162, %div3A_1104, %broadcast_in_dim3A_1164 : vector<16xi1>, vector<16xf32>
    %eq3A_1166 = arith.constant 3 : i32
    %eq3A_1167 = vector.broadcast %eq3A_1166 : i32 to vector<16xi32>
    %eq3A_1168 = arith.cmpi eq, %select_n3A_1096, %eq3A_1167 : vector<16xi32>
    %jit3A_1169 = arith.constant 0.000000e+00 : f32
    %broadcast_in_dim3A_1170 = vector.broadcast %jit3A_1169 : f32 to vector<16xf32>
    %select_n3A_1171 = arith.select %eq3A_1168, %div3A_1105, %broadcast_in_dim3A_1170 : vector<16xi1>, vector<16xf32>
    %add3A_1172 = arith.addf %select_n3A_1165, %select_n3A_1171 : vector<16xf32>
    %mul3A_1173 = arith.mulf %add3A_1172, %div3A_1017 : vector<16xf32>
    %swap3A_1174 = arith.constant 240 : index
    %swap3A_1175 = tpu.vector_load %arg5[%swap3A_1174] {strides = array<i32>} : memref<512xf32, #tpu.memory_space<vmem>>, vector<16xf32>,
    %swap3A_1176 = vector.shape_cast %swap3A_1175 : vector<16xf32> to vector<16xf32>
    %swap3A_1177 = vector.shape_cast %mul3A_1173 : vector<16xf32> to vector<16xf32>
    tpu.vector_store %arg5[%swap3A_1174], %swap3A_1177 {strides = array<i32>} : memref<512xf32, #tpu.memory_space<vmem>>, vector<16xf32>,
    %get3A_1178 = arith.constant 6 : i32
    %get3A_1179 = arith.index_cast %get3A_1178 : i32 to index
    %get3A_1180 = arith.constant 48 : index
    %get3A_1181 = tpu.vector_load %arg4[%get3A_1179, %get3A_1180] {strides = array<i32>} : memref<16x64xf32, #tpu.memory_space<vmem>>, vector<1x16xf32>,
    %get3A_1182 = vector.shape_cast %get3A_1181 : vector<1x16xf32> to vector<16xf32>
    %get3A_1183 = arith.constant 7 : i32
    %get3A_1184 = arith.index_cast %get3A_1183 : i32 to index
    %get3A_1185 = arith.constant 48 : index
    %get3A_1186 = tpu.vector_load %arg4[%get3A_1184, %get3A_1185] {strides = array<i32>} : memref<16x64xf32, #tpu.memory_space<vmem>>, vector<1x16xf32>,
    %get3A_1187 = vector.shape_cast %get3A_1186 : vector<1x16xf32> to vector<16xf32>
    %get3A_1188 = arith.constant 8 : i32
    %get3A_1189 = arith.index_cast %get3A_1188 : i32 to index
    %get3A_1190 = arith.constant 48 : index
    %get3A_1191 = tpu.vector_load %arg4[%get3A_1189, %get3A_1190] {strides = array<i32>} : memref<16x64xf32, #tpu.memory_space<vmem>>, vector<1x16xf32>,
    %get3A_1192 = vector.shape_cast %get3A_1191 : vector<1x16xf32> to vector<16xf32>
    %get3A_1193 = arith.constant 9 : i32
    %get3A_1194 = arith.index_cast %get3A_1193 : i32 to index
    %get3A_1195 = arith.constant 48 : index
    %get3A_1196 = tpu.vector_load %arg4[%get3A_1194, %get3A_1195] {strides = array<i32>} : memref<16x64xf32, #tpu.memory_space<vmem>>, vector<1x16xf32>,
    %get3A_1197 = vector.shape_cast %get3A_1196 : vector<1x16xf32> to vector<16xf32>
    %max3A_1198 = arith.maximumf %get3A_1182, %get3A_1187 : vector<16xf32>
    %max3A_1199 = arith.maximumf %get3A_1192, %get3A_1197 : vector<16xf32>
    %max3A_1200 = arith.maximumf %max3A_1198, %max3A_1199 : vector<16xf32>
    %eq3A_1201 = arith.cmpf oeq, %get3A_1182, %max3A_1200 : vector<16xf32>
    %eq3A_1202 = arith.cmpf oeq, %get3A_1187, %max3A_1200 : vector<16xf32>
    %eq3A_1203 = arith.cmpf oeq, %get3A_1192, %max3A_1200 : vector<16xf32>
    %jit3A_1204 = arith.constant 2 : i32
    %jit3A_1205 = arith.constant 3 : i32
    %broadcast_in_dim3A_1206 = vector.broadcast %jit3A_1204 : i32 to vector<16xi32>
    %broadcast_in_dim3A_1207 = vector.broadcast %jit3A_1205 : i32 to vector<16xi32>
    %select_n3A_1208 = arith.select %eq3A_1203, %broadcast_in_dim3A_1206, %broadcast_in_dim3A_1207 : vector<16xi1>, vector<16xi32>
    %jit3A_1209 = arith.constant 1 : i32
    %broadcast_in_dim3A_1210 = vector.broadcast %jit3A_1209 : i32 to vector<16xi32>
    %select_n3A_1211 = arith.select %eq3A_1202, %broadcast_in_dim3A_1210, %select_n3A_1208 : vector<16xi1>, vector<16xi32>
    %jit3A_1212 = arith.constant 0 : i32
    %broadcast_in_dim3A_1213 = vector.broadcast %jit3A_1212 : i32 to vector<16xi32>
    %select_n3A_1214 = arith.select %eq3A_1201, %broadcast_in_dim3A_1213, %select_n3A_1211 : vector<16xi1>, vector<16xi32>
    %eq3A_1215 = arith.constant 0 : i32
    %eq3A_1216 = vector.broadcast %eq3A_1215 : i32 to vector<16xi32>
    %eq3A_1217 = arith.cmpi eq, %select_n3A_1214, %eq3A_1216 : vector<16xi32>
    %jit3A_1218 = arith.constant -1.000000e+30 : f32
    %broadcast_in_dim3A_1219 = vector.broadcast %jit3A_1218 : f32 to vector<16xf32>
    %select_n3A_1220 = arith.select %eq3A_1217, %broadcast_in_dim3A_1219, %get3A_1182 : vector<16xi1>, vector<16xf32>
    %eq3A_1221 = arith.constant 1 : i32
    %eq3A_1222 = vector.broadcast %eq3A_1221 : i32 to vector<16xi32>
    %eq3A_1223 = arith.cmpi eq, %select_n3A_1214, %eq3A_1222 : vector<16xi32>
    %jit3A_1224 = arith.constant -1.000000e+30 : f32
    %broadcast_in_dim3A_1225 = vector.broadcast %jit3A_1224 : f32 to vector<16xf32>
    %select_n3A_1226 = arith.select %eq3A_1223, %broadcast_in_dim3A_1225, %get3A_1187 : vector<16xi1>, vector<16xf32>
    %eq3A_1227 = arith.constant 2 : i32
    %eq3A_1228 = vector.broadcast %eq3A_1227 : i32 to vector<16xi32>
    %eq3A_1229 = arith.cmpi eq, %select_n3A_1214, %eq3A_1228 : vector<16xi32>
    %jit3A_1230 = arith.constant -1.000000e+30 : f32
    %broadcast_in_dim3A_1231 = vector.broadcast %jit3A_1230 : f32 to vector<16xf32>
    %select_n3A_1232 = arith.select %eq3A_1229, %broadcast_in_dim3A_1231, %get3A_1192 : vector<16xi1>, vector<16xf32>
    %eq3A_1233 = arith.constant 3 : i32
    %eq3A_1234 = vector.broadcast %eq3A_1233 : i32 to vector<16xi32>
    %eq3A_1235 = arith.cmpi eq, %select_n3A_1214, %eq3A_1234 : vector<16xi32>
    %jit3A_1236 = arith.constant -1.000000e+30 : f32
    %broadcast_in_dim3A_1237 = vector.broadcast %jit3A_1236 : f32 to vector<16xf32>
    %select_n3A_1238 = arith.select %eq3A_1235, %broadcast_in_dim3A_1237, %get3A_1197 : vector<16xi1>, vector<16xf32>
    %max3A_1239 = arith.maximumf %select_n3A_1220, %select_n3A_1226 : vector<16xf32>
    %max3A_1240 = arith.maximumf %select_n3A_1232, %select_n3A_1238 : vector<16xf32>
    %max3A_1241 = arith.maximumf %max3A_1239, %max3A_1240 : vector<16xf32>
    %eq3A_1242 = arith.cmpf oeq, %select_n3A_1220, %max3A_1241 : vector<16xf32>
    %eq3A_1243 = arith.cmpf oeq, %select_n3A_1226, %max3A_1241 : vector<16xf32>
    %eq3A_1244 = arith.cmpf oeq, %select_n3A_1232, %max3A_1241 : vector<16xf32>
    %jit3A_1245 = arith.constant 2 : i32
    %jit3A_1246 = arith.constant 3 : i32
    %broadcast_in_dim3A_1247 = vector.broadcast %jit3A_1245 : i32 to vector<16xi32>
    %broadcast_in_dim3A_1248 = vector.broadcast %jit3A_1246 : i32 to vector<16xi32>
    %select_n3A_1249 = arith.select %eq3A_1244, %broadcast_in_dim3A_1247, %broadcast_in_dim3A_1248 : vector<16xi1>, vector<16xi32>
    %jit3A_1250 = arith.constant 1 : i32
    %broadcast_in_dim3A_1251 = vector.broadcast %jit3A_1250 : i32 to vector<16xi32>
    %select_n3A_1252 = arith.select %eq3A_1243, %broadcast_in_dim3A_1251, %select_n3A_1249 : vector<16xi1>, vector<16xi32>
    %jit3A_1253 = arith.constant 0 : i32
    %broadcast_in_dim3A_1254 = vector.broadcast %jit3A_1253 : i32 to vector<16xi32>
    %select_n3A_1255 = arith.select %eq3A_1242, %broadcast_in_dim3A_1254, %select_n3A_1252 : vector<16xi1>, vector<16xi32>
    %sub3A_1256 = arith.subf %max3A_1241, %max3A_1200 : vector<16xf32>
    %exp3A_1257 = math.exp %sub3A_1256 : vector<16xf32>
    %add3A_1258 = arith.constant 1.000000e+00 : f32
    %add3A_1259 = vector.broadcast %add3A_1258 : f32 to vector<16xf32>
    %add3A_1260 = arith.addf %add3A_1259, %exp3A_1257 : vector<16xf32>
    %div3A_1261 = arith.constant 1.000000e+00 : f32
    %div3A_1262 = vector.broadcast %div3A_1261 : f32 to vector<16xf32>
    %div3A_1263 = arith.divf %div3A_1262, %add3A_1260 : vector<16xf32>
    %div3A_1264 = arith.divf %exp3A_1257, %add3A_1260 : vector<16xf32>
    %eq3A_1265 = arith.constant 0 : i32
    %eq3A_1266 = vector.broadcast %eq3A_1265 : i32 to vector<16xi32>
    %eq3A_1267 = arith.cmpi eq, %select_n3A_1214, %eq3A_1266 : vector<16xi32>
    %jit3A_1268 = arith.constant 0.000000e+00 : f32
    %broadcast_in_dim3A_1269 = vector.broadcast %jit3A_1268 : f32 to vector<16xf32>
    %select_n3A_1270 = arith.select %eq3A_1267, %div3A_1263, %broadcast_in_dim3A_1269 : vector<16xi1>, vector<16xf32>
    %eq3A_1271 = arith.constant 0 : i32
    %eq3A_1272 = vector.broadcast %eq3A_1271 : i32 to vector<16xi32>
    %eq3A_1273 = arith.cmpi eq, %select_n3A_1255, %eq3A_1272 : vector<16xi32>
    %jit3A_1274 = arith.constant 0.000000e+00 : f32
    %broadcast_in_dim3A_1275 = vector.broadcast %jit3A_1274 : f32 to vector<16xf32>
    %select_n3A_1276 = arith.select %eq3A_1273, %div3A_1264, %broadcast_in_dim3A_1275 : vector<16xi1>, vector<16xf32>
    %add3A_1277 = arith.addf %select_n3A_1270, %select_n3A_1276 : vector<16xf32>
    %mul3A_1278 = arith.mulf %add3A_1277, %div3A_1018 : vector<16xf32>
    %swap3A_1279 = arith.constant 304 : index
    %swap3A_1280 = tpu.vector_load %arg5[%swap3A_1279] {strides = array<i32>} : memref<512xf32, #tpu.memory_space<vmem>>, vector<16xf32>,
    %swap3A_1281 = vector.shape_cast %swap3A_1280 : vector<16xf32> to vector<16xf32>
    %swap3A_1282 = vector.shape_cast %mul3A_1278 : vector<16xf32> to vector<16xf32>
    tpu.vector_store %arg5[%swap3A_1279], %swap3A_1282 {strides = array<i32>} : memref<512xf32, #tpu.memory_space<vmem>>, vector<16xf32>,
    %eq3A_1283 = arith.constant 1 : i32
    %eq3A_1284 = vector.broadcast %eq3A_1283 : i32 to vector<16xi32>
    %eq3A_1285 = arith.cmpi eq, %select_n3A_1214, %eq3A_1284 : vector<16xi32>
    %jit3A_1286 = arith.constant 0.000000e+00 : f32
    %broadcast_in_dim3A_1287 = vector.broadcast %jit3A_1286 : f32 to vector<16xf32>
    %select_n3A_1288 = arith.select %eq3A_1285, %div3A_1263, %broadcast_in_dim3A_1287 : vector<16xi1>, vector<16xf32>
    %eq3A_1289 = arith.constant 1 : i32
    %eq3A_1290 = vector.broadcast %eq3A_1289 : i32 to vector<16xi32>
    %eq3A_1291 = arith.cmpi eq, %select_n3A_1255, %eq3A_1290 : vector<16xi32>
    %jit3A_1292 = arith.constant 0.000000e+00 : f32
    %broadcast_in_dim3A_1293 = vector.broadcast %jit3A_1292 : f32 to vector<16xf32>
    %select_n3A_1294 = arith.select %eq3A_1291, %div3A_1264, %broadcast_in_dim3A_1293 : vector<16xi1>, vector<16xf32>
    %add3A_1295 = arith.addf %select_n3A_1288, %select_n3A_1294 : vector<16xf32>
    %mul3A_1296 = arith.mulf %add3A_1295, %div3A_1018 : vector<16xf32>
    %swap3A_1297 = arith.constant 368 : index
    %swap3A_1298 = tpu.vector_load %arg5[%swap3A_1297] {strides = array<i32>} : memref<512xf32, #tpu.memory_space<vmem>>, vector<16xf32>,
    %swap3A_1299 = vector.shape_cast %swap3A_1298 : vector<16xf32> to vector<16xf32>
    %swap3A_1300 = vector.shape_cast %mul3A_1296 : vector<16xf32> to vector<16xf32>
    tpu.vector_store %arg5[%swap3A_1297], %swap3A_1300 {strides = array<i32>} : memref<512xf32, #tpu.memory_space<vmem>>, vector<16xf32>,
    %eq3A_1301 = arith.constant 2 : i32
    %eq3A_1302 = vector.broadcast %eq3A_1301 : i32 to vector<16xi32>
    %eq3A_1303 = arith.cmpi eq, %select_n3A_1214, %eq3A_1302 : vector<16xi32>
    %jit3A_1304 = arith.constant 0.000000e+00 : f32
    %broadcast_in_dim3A_1305 = vector.broadcast %jit3A_1304 : f32 to vector<16xf32>
    %select_n3A_1306 = arith.select %eq3A_1303, %div3A_1263, %broadcast_in_dim3A_1305 : vector<16xi1>, vector<16xf32>
    %eq3A_1307 = arith.constant 2 : i32
    %eq3A_1308 = vector.broadcast %eq3A_1307 : i32 to vector<16xi32>
    %eq3A_1309 = arith.cmpi eq, %select_n3A_1255, %eq3A_1308 : vector<16xi32>
    %jit3A_1310 = arith.constant 0.000000e+00 : f32
    %broadcast_in_dim3A_1311 = vector.broadcast %jit3A_1310 : f32 to vector<16xf32>
    %select_n3A_1312 = arith.select %eq3A_1309, %div3A_1264, %broadcast_in_dim3A_1311 : vector<16xi1>, vector<16xf32>
    %add3A_1313 = arith.addf %select_n3A_1306, %select_n3A_1312 : vector<16xf32>
    %mul3A_1314 = arith.mulf %add3A_1313, %div3A_1018 : vector<16xf32>
    %swap3A_1315 = arith.constant 432 : index
    %swap3A_1316 = tpu.vector_load %arg5[%swap3A_1315] {strides = array<i32>} : memref<512xf32, #tpu.memory_space<vmem>>, vector<16xf32>,
    %swap3A_1317 = vector.shape_cast %swap3A_1316 : vector<16xf32> to vector<16xf32>
    %swap3A_1318 = vector.shape_cast %mul3A_1314 : vector<16xf32> to vector<16xf32>
    tpu.vector_store %arg5[%swap3A_1315], %swap3A_1318 {strides = array<i32>} : memref<512xf32, #tpu.memory_space<vmem>>, vector<16xf32>,
    %eq3A_1319 = arith.constant 3 : i32
    %eq3A_1320 = vector.broadcast %eq3A_1319 : i32 to vector<16xi32>
    %eq3A_1321 = arith.cmpi eq, %select_n3A_1214, %eq3A_1320 : vector<16xi32>
    %jit3A_1322 = arith.constant 0.000000e+00 : f32
    %broadcast_in_dim3A_1323 = vector.broadcast %jit3A_1322 : f32 to vector<16xf32>
    %select_n3A_1324 = arith.select %eq3A_1321, %div3A_1263, %broadcast_in_dim3A_1323 : vector<16xi1>, vector<16xf32>
    %eq3A_1325 = arith.constant 3 : i32
    %eq3A_1326 = vector.broadcast %eq3A_1325 : i32 to vector<16xi32>
    %eq3A_1327 = arith.cmpi eq, %select_n3A_1255, %eq3A_1326 : vector<16xi32>
    %jit3A_1328 = arith.constant 0.000000e+00 : f32
    %broadcast_in_dim3A_1329 = vector.broadcast %jit3A_1328 : f32 to vector<16xf32>
    %select_n3A_1330 = arith.select %eq3A_1327, %div3A_1264, %broadcast_in_dim3A_1329 : vector<16xi1>, vector<16xf32>
    %add3A_1331 = arith.addf %select_n3A_1324, %select_n3A_1330 : vector<16xf32>
    %mul3A_1332 = arith.mulf %add3A_1331, %div3A_1018 : vector<16xf32>
    %swap3A_1333 = arith.constant 496 : index
    %swap3A_1334 = tpu.vector_load %arg5[%swap3A_1333] {strides = array<i32>} : memref<512xf32, #tpu.memory_space<vmem>>, vector<16xf32>,
    %swap3A_1335 = vector.shape_cast %swap3A_1334 : vector<16xf32> to vector<16xf32>
    %swap3A_1336 = vector.shape_cast %mul3A_1332 : vector<16xf32> to vector<16xf32>
    tpu.vector_store %arg5[%swap3A_1333], %swap3A_1336 {strides = array<i32>} : memref<512xf32, #tpu.memory_space<vmem>>, vector<16xf32>,
    %mul3A_1337 = arith.constant 8 : i32
    %mul3A_1338 = arith.muli %mul3A_2, %mul3A_1337 : i32
    "tpu.region"() ({
      %run_scoped3A = tpu.sem_alloc : memref<!tpu.dma_semaphore, #tpu.memory_space<semaphore_mem>>
      %dma_start3A = tpu.memref_slice %arg3[%mul3A_1338] : memref<16384xf32, #tpu.memory_space<hbm>> -> memref<512xf32, #tpu.memory_space<hbm>>
      %dma_start3A_1339 = tpu.memref_slice %arg3[%mul3A_1338] : memref<16384xf32, #tpu.memory_space<hbm>> -> memref<512xf32, #tpu.memory_space<hbm>>
      tpu.enqueue_dma source(%arg5 : memref<512xf32, #tpu.memory_space<vmem>>) target(%dma_start3A_1339 : memref<512xf32, #tpu.memory_space<hbm>>) target_semaphore(%run_scoped3A : memref<!tpu.dma_semaphore, #tpu.memory_space<semaphore_mem>>)
      %dma_wait3A = tpu.memref_slice %arg3[%mul3A_1338] : memref<16384xf32, #tpu.memory_space<hbm>> -> memref<512xf32, #tpu.memory_space<hbm>>
      %dma_wait3A_1340 = tpu.memref_slice %arg3[%mul3A_1338] : memref<16384xf32, #tpu.memory_space<hbm>> -> memref<512xf32, #tpu.memory_space<hbm>>
      tpu.wait_dma2 semaphore(%run_scoped3A : memref<!tpu.dma_semaphore, #tpu.memory_space<semaphore_mem>>) src(%arg5 : memref<512xf32, #tpu.memory_space<vmem>>) dst(%dma_wait3A_1340 : memref<512xf32, #tpu.memory_space<hbm>>)
      tpu.yield
    }) : () -> ()
    return
  }
}

module attributes {stable_mosaic.version = 14 : i64} {
  func.func @_logits_body(%arg0: memref<2048x768xf32, #tpu.memory_space<vmem>>, %arg1: memref<768x16xbf16, #tpu.memory_space<vmem>>, %arg2: memref<2048x16xf32, #tpu.memory_space<vmem>>, %arg3: memref<2048x768xbf16, #tpu.memory_space<vmem>>) attributes {dimension_semantics = [], scalar_prefetch = 0 : i64, scratch_operands = 0 : i64, tpu.core_type = #tpu.core_type<tc>} {
    %get3A = arith.constant 0 : index
    %get3A_0 = arith.constant 0 : index
    %get3A_1 = vector.load %arg0[%get3A, %get3A_0] : memref<2048x768xf32, #tpu.memory_space<vmem>>, vector<2048x768xf32>
    %convert_element_type3A = arith.truncf %get3A_1 : vector<2048x768xf32> to vector<2048x768xbf16>
    %swap3A = arith.constant 0 : index
    %swap3A_2 = arith.constant 0 : index
    %swap3A_3 = vector.load %arg3[%swap3A, %swap3A_2] : memref<2048x768xbf16, #tpu.memory_space<vmem>>, vector<2048x768xbf16>
    tpu.vector_store %arg3[%swap3A, %swap3A_2], %convert_element_type3A {strides = array<i32>} : memref<2048x768xbf16, #tpu.memory_space<vmem>>, vector<2048x768xbf16>,
    %get3A_4 = arith.constant 0 : index
    %get3A_5 = arith.constant 0 : index
    %get3A_6 = vector.load %arg1[%get3A_4, %get3A_5] : memref<768x16xbf16, #tpu.memory_space<vmem>>, vector<768x16xbf16>
    %dot_general3A = arith.constant dense<0.000000e+00> : vector<2048x16xf32>
    %dot_general3A_7 = tpu.matmul %convert_element_type3A, %get3A_6, %dot_general3A {dimension_numbers = #tpu.dot_dimension_numbers<[1], [0], [0], [1], [0, 0, 1, 1], [], []>, transpose_lhs_hint = false} : vector<2048x768xbf16>, vector<768x16xbf16>, vector<2048x16xf32> -> vector<2048x16xf32>
    %swap3A_8 = arith.constant 0 : index
    %swap3A_9 = arith.constant 0 : index
    %swap3A_10 = vector.load %arg2[%swap3A_8, %swap3A_9] : memref<2048x16xf32, #tpu.memory_space<vmem>>, vector<2048x16xf32>
    tpu.vector_store %arg2[%swap3A_8, %swap3A_9], %dot_general3A_7 {strides = array<i32>} : memref<2048x16xf32, #tpu.memory_space<vmem>>, vector<2048x16xf32>,
    return
  }
}

module attributes {stable_mosaic.version = 14 : i64} {
  func.func @_moe_body(%arg0: i32, %arg1: memref<2048x768xbf16, #tpu.memory_space<vmem>>, %arg2: memref<2048x8xf32, #tpu.memory_space<vmem>>, %arg3: memref<2x768x768xf32, #tpu.memory_space<vmem>>, %arg4: memref<2x768x768xf32, #tpu.memory_space<vmem>>, %arg5: memref<2048x768xf32, #tpu.memory_space<any>>, %arg6: memref<2048x768xf32, #tpu.memory_space<vmem>>, %arg7: memref<8x!tpu.dma_semaphore, #tpu.memory_space<semaphore_mem>>) attributes {dimension_semantics = [#tpu.dimension_semantics<arbitrary>], iteration_bounds = array<i64: 4>, scalar_prefetch = 0 : i64, scratch_operands = 2 : i64, tpu.core_type = #tpu.core_type<tc>, window_params = [{pipeline_mode = #tpu.pipeline_mode<synchronous>, transform_indices = @transform_0, window_bounds = array<i64: 2048, 768>}, {pipeline_mode = #tpu.pipeline_mode<synchronous>, transform_indices = @transform_1, window_bounds = array<i64: 2048, 8>}, {transform_indices = @transform_2, window_bounds = array<i64: 2, 768, 768>}, {transform_indices = @transform_3, window_bounds = array<i64: 2, 768, 768>}, {}]} {
    %eq3A = arith.constant 0 : i32
    %eq3A_0 = arith.cmpi eq, %arg0, %eq3A : i32
    %convert_element_type3A = arith.extui %eq3A_0 : i1 to i32
    %cond3A = arith.constant 0 : i32
    %cond3A_1 = arith.cmpi ne, %convert_element_type3A, %cond3A : i32
    scf.if %cond3A_1 {
      %broadcast_in_dim3A_349 = arith.constant 0.000000e+00 : f32
      %broadcast_in_dim3A_350 = vector.broadcast %broadcast_in_dim3A_349 : f32 to vector<2048x768xf32>
      %swap3A_351 = arith.constant 0 : index
      %swap3A_352 = arith.constant 0 : index
      %swap3A_353 = vector.load %arg6[%swap3A_351, %swap3A_352] : memref<2048x768xf32, #tpu.memory_space<vmem>>, vector<2048x768xf32>
      tpu.vector_store %arg6[%swap3A_351, %swap3A_352], %broadcast_in_dim3A_350 {strides = array<i32>} : memref<2048x768xf32, #tpu.memory_space<vmem>>, vector<2048x768xf32>,
    } else {
    }
    %get3A = arith.constant 0 : index
    %get3A_2 = arith.constant 0 : index
    %get3A_3 = arith.constant 0 : index
    %get3A_4 = vector.load %arg3[%get3A, %get3A_2, %get3A_3] : memref<2x768x768xf32, #tpu.memory_space<vmem>>, vector<1x768x768xf32>
    %get3A_5 = vector.shape_cast %get3A_4 : vector<1x768x768xf32> to vector<768x768xf32>
    %convert_element_type3A_6 = arith.truncf %get3A_5 : vector<768x768xf32> to vector<768x768xbf16>
    %get3A_7 = arith.constant 0 : index
    %get3A_8 = arith.constant 0 : index
    %get3A_9 = arith.constant 0 : index
    %get3A_10 = vector.load %arg4[%get3A_7, %get3A_8, %get3A_9] : memref<2x768x768xf32, #tpu.memory_space<vmem>>, vector<1x768x768xf32>
    %get3A_11 = vector.shape_cast %get3A_10 : vector<1x768x768xf32> to vector<768x768xf32>
    %convert_element_type3A_12 = arith.truncf %get3A_11 : vector<768x768xf32> to vector<768x768xbf16>
    %get3A_13 = arith.constant 1 : index
    %get3A_14 = arith.constant 0 : index
    %get3A_15 = arith.constant 0 : index
    %get3A_16 = vector.load %arg3[%get3A_13, %get3A_14, %get3A_15] : memref<2x768x768xf32, #tpu.memory_space<vmem>>, vector<1x768x768xf32>
    %get3A_17 = vector.shape_cast %get3A_16 : vector<1x768x768xf32> to vector<768x768xf32>
    %convert_element_type3A_18 = arith.truncf %get3A_17 : vector<768x768xf32> to vector<768x768xbf16>
    %get3A_19 = arith.constant 1 : index
    %get3A_20 = arith.constant 0 : index
    %get3A_21 = arith.constant 0 : index
    %get3A_22 = vector.load %arg4[%get3A_19, %get3A_20, %get3A_21] : memref<2x768x768xf32, #tpu.memory_space<vmem>>, vector<1x768x768xf32>
    %get3A_23 = vector.shape_cast %get3A_22 : vector<1x768x768xf32> to vector<768x768xf32>
    %convert_element_type3A_24 = arith.truncf %get3A_23 : vector<768x768xf32> to vector<768x768xbf16>
    %get3A_25 = arith.constant 0 : index
    %get3A_26 = arith.constant 0 : index
    %get3A_27 = vector.load %arg2[%get3A_25, %get3A_26] : memref<2048x8xf32, #tpu.memory_space<vmem>>, vector<2048x8xf32>
    %iota3A = tpu.iota {dimensions = array<i32: 1>} : vector<2048x8xi32>
    %mul3A = arith.constant 2 : i32
    %mul3A_28 = arith.muli %mul3A, %arg0 : i32
    %eq3A_29 = vector.broadcast %mul3A_28 : i32 to vector<2048x8xi32>
    %eq3A_30 = arith.cmpi eq, %iota3A, %eq3A_29 : vector<2048x8xi32>
    %jit3A = arith.constant 0.000000e+00 : f32
    %broadcast_in_dim3A = vector.broadcast %jit3A : f32 to vector<2048x8xf32>
    %select_n3A = arith.select %eq3A_30, %get3A_27, %broadcast_in_dim3A : vector<2048x8xi1>, vector<2048x8xf32>
    %reduce_sum3A = arith.constant dense<0.000000e+00> : vector<2048xf32>
    %reduce_sum3A_31 = vector.multi_reduction <add>, %select_n3A, %reduce_sum3A [1] : vector<2048x8xf32> to vector<2048xf32>
    %broadcast_in_dim3A_32 = vector.shape_cast %reduce_sum3A_31 : vector<2048xf32> to vector<2048x1xf32>
    %mul3A_33 = arith.constant 2 : i32
    %mul3A_34 = arith.muli %mul3A_33, %arg0 : i32
    %add3A = arith.constant 1 : i32
    %add3A_35 = arith.addi %mul3A_34, %add3A : i32
    %eq3A_36 = vector.broadcast %add3A_35 : i32 to vector<2048x8xi32>
    %eq3A_37 = arith.cmpi eq, %iota3A, %eq3A_36 : vector<2048x8xi32>
    %jit3A_38 = arith.constant 0.000000e+00 : f32
    %broadcast_in_dim3A_39 = vector.broadcast %jit3A_38 : f32 to vector<2048x8xf32>
    %select_n3A_40 = arith.select %eq3A_37, %get3A_27, %broadcast_in_dim3A_39 : vector<2048x8xi1>, vector<2048x8xf32>
    %reduce_sum3A_41 = arith.constant dense<0.000000e+00> : vector<2048xf32>
    %reduce_sum3A_42 = vector.multi_reduction <add>, %select_n3A_40, %reduce_sum3A_41 [1] : vector<2048x8xf32> to vector<2048xf32>
    %broadcast_in_dim3A_43 = vector.shape_cast %reduce_sum3A_42 : vector<2048xf32> to vector<2048x1xf32>
    %get3A_44 = arith.constant 0 : index
    %get3A_45 = arith.constant 0 : index
    %get3A_46 = vector.load %arg1[%get3A_44, %get3A_45] : memref<2048x768xbf16, #tpu.memory_space<vmem>>, vector<256x768xbf16>
    %dot_general3A = arith.constant dense<0.000000e+00> : vector<256x768xf32>
    %dot_general3A_47 = tpu.matmul %get3A_46, %convert_element_type3A_6, %dot_general3A {dimension_numbers = #tpu.dot_dimension_numbers<[1], [0], [0], [1], [0, 0, 1, 1], [], []>, transpose_lhs_hint = false} : vector<256x768xbf16>, vector<768x768xbf16>, vector<256x768xf32> -> vector<256x768xf32>
    %max3A = arith.constant 0.000000e+00 : f32
    %max3A_48 = vector.broadcast %max3A : f32 to vector<256x768xf32>
    %max3A_49 = arith.maximumf %dot_general3A_47, %max3A_48 : vector<256x768xf32>
    %convert_element_type3A_50 = arith.truncf %max3A_49 : vector<256x768xf32> to vector<256x768xbf16>
    %dot_general3A_51 = arith.constant dense<0.000000e+00> : vector<256x768xf32>
    %dot_general3A_52 = tpu.matmul %convert_element_type3A_50, %convert_element_type3A_12, %dot_general3A_51 {dimension_numbers = #tpu.dot_dimension_numbers<[1], [0], [0], [1], [0, 0, 1, 1], [], []>, transpose_lhs_hint = false} : vector<256x768xbf16>, vector<768x768xbf16>, vector<256x768xf32> -> vector<256x768xf32>
    %dot_general3A_53 = arith.constant dense<0.000000e+00> : vector<256x768xf32>
    %dot_general3A_54 = tpu.matmul %get3A_46, %convert_element_type3A_18, %dot_general3A_53 {dimension_numbers = #tpu.dot_dimension_numbers<[1], [0], [0], [1], [0, 0, 1, 1], [], []>, transpose_lhs_hint = false} : vector<256x768xbf16>, vector<768x768xbf16>, vector<256x768xf32> -> vector<256x768xf32>
    %max3A_55 = arith.constant 0.000000e+00 : f32
    %max3A_56 = vector.broadcast %max3A_55 : f32 to vector<256x768xf32>
    %max3A_57 = arith.maximumf %dot_general3A_54, %max3A_56 : vector<256x768xf32>
    %convert_element_type3A_58 = arith.truncf %max3A_57 : vector<256x768xf32> to vector<256x768xbf16>
    %dot_general3A_59 = arith.constant dense<0.000000e+00> : vector<256x768xf32>
    %dot_general3A_60 = tpu.matmul %convert_element_type3A_58, %convert_element_type3A_24, %dot_general3A_59 {dimension_numbers = #tpu.dot_dimension_numbers<[1], [0], [0], [1], [0, 0, 1, 1], [], []>, transpose_lhs_hint = false} : vector<256x768xbf16>, vector<768x768xbf16>, vector<256x768xf32> -> vector<256x768xf32>
    %get3A_61 = arith.constant 0 : index
    %get3A_62 = arith.constant 0 : index
    %get3A_63 = vector.load %arg6[%get3A_61, %get3A_62] : memref<2048x768xf32, #tpu.memory_space<vmem>>, vector<256x768xf32>
    %slice3A = vector.extract_strided_slice %broadcast_in_dim3A_32 {offsets = [0, 0], sizes = [256, 1], strides = [1, 1]} : vector<2048x1xf32> to vector<256x1xf32>
    %mul3A_64 = vector.broadcast %slice3A : vector<256x1xf32> to vector<256x768xf32>
    %mul3A_65 = arith.mulf %mul3A_64, %dot_general3A_52 : vector<256x768xf32>
    %slice3A_66 = vector.extract_strided_slice %broadcast_in_dim3A_43 {offsets = [0, 0], sizes = [256, 1], strides = [1, 1]} : vector<2048x1xf32> to vector<256x1xf32>
    %mul3A_67 = vector.broadcast %slice3A_66 : vector<256x1xf32> to vector<256x768xf32>
    %mul3A_68 = arith.mulf %mul3A_67, %dot_general3A_60 : vector<256x768xf32>
    %add3A_69 = arith.addf %mul3A_65, %mul3A_68 : vector<256x768xf32>
    %add3A_70 = arith.addf %get3A_63, %add3A_69 : vector<256x768xf32>
    %swap3A = arith.constant 0 : index
    %swap3A_71 = arith.constant 0 : index
    %swap3A_72 = vector.load %arg6[%swap3A, %swap3A_71] : memref<2048x768xf32, #tpu.memory_space<vmem>>, vector<256x768xf32>
    tpu.vector_store %arg6[%swap3A, %swap3A_71], %add3A_70 {strides = array<i32>} : memref<2048x768xf32, #tpu.memory_space<vmem>>, vector<256x768xf32>,
    %eq3A_73 = arith.constant 3 : i32
    %eq3A_74 = arith.cmpi eq, %arg0, %eq3A_73 : i32
    %convert_element_type3A_75 = arith.extui %eq3A_74 : i1 to i32
    %cond3A_76 = arith.constant 0 : i32
    %cond3A_77 = arith.cmpi ne, %convert_element_type3A_75, %cond3A_76 : i32
    scf.if %cond3A_77 {
      %dma_start3A = arith.constant 0 : i32
      %dma_start3A_349 = tpu.memref_slice %arg7[%dma_start3A] : memref<8x!tpu.dma_semaphore, #tpu.memory_space<semaphore_mem>> -> memref<1x!tpu.dma_semaphore, #tpu.memory_space<semaphore_mem>>
      %dma_start3A_350 = tpu.memref_squeeze %dma_start3A_349 : memref<1x!tpu.dma_semaphore, #tpu.memory_space<semaphore_mem>> -> memref<!tpu.dma_semaphore, #tpu.memory_space<semaphore_mem>>
      %dma_start3A_351 = arith.constant 0 : i32
      %dma_start3A_352 = arith.constant 0 : i32
      %dma_start3A_353 = tpu.memref_slice %arg5[%dma_start3A_351, %dma_start3A_352] : memref<2048x768xf32, #tpu.memory_space<any>> -> memref<256x768xf32, #tpu.memory_space<any>>
      %dma_start3A_354 = arith.constant 0 : i32
      %dma_start3A_355 = arith.constant 0 : i32
      %dma_start3A_356 = tpu.memref_slice %arg6[%dma_start3A_354, %dma_start3A_355] : memref<2048x768xf32, #tpu.memory_space<vmem>> -> memref<256x768xf32, #tpu.memory_space<vmem>>
      tpu.enqueue_dma source(%dma_start3A_356 : memref<256x768xf32, #tpu.memory_space<vmem>>) target(%dma_start3A_353 : memref<256x768xf32, #tpu.memory_space<any>>) target_semaphore(%dma_start3A_350 : memref<!tpu.dma_semaphore, #tpu.memory_space<semaphore_mem>>)
    } else {
    }
    %get3A_78 = arith.constant 256 : index
    %get3A_79 = arith.constant 0 : index
    %get3A_80 = vector.load %arg1[%get3A_78, %get3A_79] : memref<2048x768xbf16, #tpu.memory_space<vmem>>, vector<256x768xbf16>
    %dot_general3A_81 = arith.constant dense<0.000000e+00> : vector<256x768xf32>
    %dot_general3A_82 = tpu.matmul %get3A_80, %convert_element_type3A_6, %dot_general3A_81 {dimension_numbers = #tpu.dot_dimension_numbers<[1], [0], [0], [1], [0, 0, 1, 1], [], []>, transpose_lhs_hint = false} : vector<256x768xbf16>, vector<768x768xbf16>, vector<256x768xf32> -> vector<256x768xf32>
    %max3A_83 = arith.constant 0.000000e+00 : f32
    %max3A_84 = vector.broadcast %max3A_83 : f32 to vector<256x768xf32>
    %max3A_85 = arith.maximumf %dot_general3A_82, %max3A_84 : vector<256x768xf32>
    %convert_element_type3A_86 = arith.truncf %max3A_85 : vector<256x768xf32> to vector<256x768xbf16>
    %dot_general3A_87 = arith.constant dense<0.000000e+00> : vector<256x768xf32>
    %dot_general3A_88 = tpu.matmul %convert_element_type3A_86, %convert_element_type3A_12, %dot_general3A_87 {dimension_numbers = #tpu.dot_dimension_numbers<[1], [0], [0], [1], [0, 0, 1, 1], [], []>, transpose_lhs_hint = false} : vector<256x768xbf16>, vector<768x768xbf16>, vector<256x768xf32> -> vector<256x768xf32>
    %dot_general3A_89 = arith.constant dense<0.000000e+00> : vector<256x768xf32>
    %dot_general3A_90 = tpu.matmul %get3A_80, %convert_element_type3A_18, %dot_general3A_89 {dimension_numbers = #tpu.dot_dimension_numbers<[1], [0], [0], [1], [0, 0, 1, 1], [], []>, transpose_lhs_hint = false} : vector<256x768xbf16>, vector<768x768xbf16>, vector<256x768xf32> -> vector<256x768xf32>
    %max3A_91 = arith.constant 0.000000e+00 : f32
    %max3A_92 = vector.broadcast %max3A_91 : f32 to vector<256x768xf32>
    %max3A_93 = arith.maximumf %dot_general3A_90, %max3A_92 : vector<256x768xf32>
    %convert_element_type3A_94 = arith.truncf %max3A_93 : vector<256x768xf32> to vector<256x768xbf16>
    %dot_general3A_95 = arith.constant dense<0.000000e+00> : vector<256x768xf32>
    %dot_general3A_96 = tpu.matmul %convert_element_type3A_94, %convert_element_type3A_24, %dot_general3A_95 {dimension_numbers = #tpu.dot_dimension_numbers<[1], [0], [0], [1], [0, 0, 1, 1], [], []>, transpose_lhs_hint = false} : vector<256x768xbf16>, vector<768x768xbf16>, vector<256x768xf32> -> vector<256x768xf32>
    %get3A_97 = arith.constant 256 : index
    %get3A_98 = arith.constant 0 : index
    %get3A_99 = vector.load %arg6[%get3A_97, %get3A_98] : memref<2048x768xf32, #tpu.memory_space<vmem>>, vector<256x768xf32>
    %slice3A_100 = vector.extract_strided_slice %broadcast_in_dim3A_32 {offsets = [256, 0], sizes = [256, 1], strides = [1, 1]} : vector<2048x1xf32> to vector<256x1xf32>
    %mul3A_101 = vector.broadcast %slice3A_100 : vector<256x1xf32> to vector<256x768xf32>
    %mul3A_102 = arith.mulf %mul3A_101, %dot_general3A_88 : vector<256x768xf32>
    %slice3A_103 = vector.extract_strided_slice %broadcast_in_dim3A_43 {offsets = [256, 0], sizes = [256, 1], strides = [1, 1]} : vector<2048x1xf32> to vector<256x1xf32>
    %mul3A_104 = vector.broadcast %slice3A_103 : vector<256x1xf32> to vector<256x768xf32>
    %mul3A_105 = arith.mulf %mul3A_104, %dot_general3A_96 : vector<256x768xf32>
    %add3A_106 = arith.addf %mul3A_102, %mul3A_105 : vector<256x768xf32>
    %add3A_107 = arith.addf %get3A_99, %add3A_106 : vector<256x768xf32>
    %swap3A_108 = arith.constant 256 : index
    %swap3A_109 = arith.constant 0 : index
    %swap3A_110 = vector.load %arg6[%swap3A_108, %swap3A_109] : memref<2048x768xf32, #tpu.memory_space<vmem>>, vector<256x768xf32>
    tpu.vector_store %arg6[%swap3A_108, %swap3A_109], %add3A_107 {strides = array<i32>} : memref<2048x768xf32, #tpu.memory_space<vmem>>, vector<256x768xf32>,
    %eq3A_111 = arith.constant 3 : i32
    %eq3A_112 = arith.cmpi eq, %arg0, %eq3A_111 : i32
    %convert_element_type3A_113 = arith.extui %eq3A_112 : i1 to i32
    %cond3A_114 = arith.constant 0 : i32
    %cond3A_115 = arith.cmpi ne, %convert_element_type3A_113, %cond3A_114 : i32
    scf.if %cond3A_115 {
      %dma_start3A = arith.constant 1 : i32
      %dma_start3A_349 = tpu.memref_slice %arg7[%dma_start3A] : memref<8x!tpu.dma_semaphore, #tpu.memory_space<semaphore_mem>> -> memref<1x!tpu.dma_semaphore, #tpu.memory_space<semaphore_mem>>
      %dma_start3A_350 = tpu.memref_squeeze %dma_start3A_349 : memref<1x!tpu.dma_semaphore, #tpu.memory_space<semaphore_mem>> -> memref<!tpu.dma_semaphore, #tpu.memory_space<semaphore_mem>>
      %dma_start3A_351 = arith.constant 256 : i32
      %dma_start3A_352 = arith.constant 0 : i32
      %dma_start3A_353 = tpu.memref_slice %arg5[%dma_start3A_351, %dma_start3A_352] : memref<2048x768xf32, #tpu.memory_space<any>> -> memref<256x768xf32, #tpu.memory_space<any>>
      %dma_start3A_354 = arith.constant 256 : i32
      %dma_start3A_355 = arith.constant 0 : i32
      %dma_start3A_356 = tpu.memref_slice %arg6[%dma_start3A_354, %dma_start3A_355] : memref<2048x768xf32, #tpu.memory_space<vmem>> -> memref<256x768xf32, #tpu.memory_space<vmem>>
      tpu.enqueue_dma source(%dma_start3A_356 : memref<256x768xf32, #tpu.memory_space<vmem>>) target(%dma_start3A_353 : memref<256x768xf32, #tpu.memory_space<any>>) target_semaphore(%dma_start3A_350 : memref<!tpu.dma_semaphore, #tpu.memory_space<semaphore_mem>>)
    } else {
    }
    %get3A_116 = arith.constant 512 : index
    %get3A_117 = arith.constant 0 : index
    %get3A_118 = vector.load %arg1[%get3A_116, %get3A_117] : memref<2048x768xbf16, #tpu.memory_space<vmem>>, vector<256x768xbf16>
    %dot_general3A_119 = arith.constant dense<0.000000e+00> : vector<256x768xf32>
    %dot_general3A_120 = tpu.matmul %get3A_118, %convert_element_type3A_6, %dot_general3A_119 {dimension_numbers = #tpu.dot_dimension_numbers<[1], [0], [0], [1], [0, 0, 1, 1], [], []>, transpose_lhs_hint = false} : vector<256x768xbf16>, vector<768x768xbf16>, vector<256x768xf32> -> vector<256x768xf32>
    %max3A_121 = arith.constant 0.000000e+00 : f32
    %max3A_122 = vector.broadcast %max3A_121 : f32 to vector<256x768xf32>
    %max3A_123 = arith.maximumf %dot_general3A_120, %max3A_122 : vector<256x768xf32>
    %convert_element_type3A_124 = arith.truncf %max3A_123 : vector<256x768xf32> to vector<256x768xbf16>
    %dot_general3A_125 = arith.constant dense<0.000000e+00> : vector<256x768xf32>
    %dot_general3A_126 = tpu.matmul %convert_element_type3A_124, %convert_element_type3A_12, %dot_general3A_125 {dimension_numbers = #tpu.dot_dimension_numbers<[1], [0], [0], [1], [0, 0, 1, 1], [], []>, transpose_lhs_hint = false} : vector<256x768xbf16>, vector<768x768xbf16>, vector<256x768xf32> -> vector<256x768xf32>
    %dot_general3A_127 = arith.constant dense<0.000000e+00> : vector<256x768xf32>
    %dot_general3A_128 = tpu.matmul %get3A_118, %convert_element_type3A_18, %dot_general3A_127 {dimension_numbers = #tpu.dot_dimension_numbers<[1], [0], [0], [1], [0, 0, 1, 1], [], []>, transpose_lhs_hint = false} : vector<256x768xbf16>, vector<768x768xbf16>, vector<256x768xf32> -> vector<256x768xf32>
    %max3A_129 = arith.constant 0.000000e+00 : f32
    %max3A_130 = vector.broadcast %max3A_129 : f32 to vector<256x768xf32>
    %max3A_131 = arith.maximumf %dot_general3A_128, %max3A_130 : vector<256x768xf32>
    %convert_element_type3A_132 = arith.truncf %max3A_131 : vector<256x768xf32> to vector<256x768xbf16>
    %dot_general3A_133 = arith.constant dense<0.000000e+00> : vector<256x768xf32>
    %dot_general3A_134 = tpu.matmul %convert_element_type3A_132, %convert_element_type3A_24, %dot_general3A_133 {dimension_numbers = #tpu.dot_dimension_numbers<[1], [0], [0], [1], [0, 0, 1, 1], [], []>, transpose_lhs_hint = false} : vector<256x768xbf16>, vector<768x768xbf16>, vector<256x768xf32> -> vector<256x768xf32>
    %get3A_135 = arith.constant 512 : index
    %get3A_136 = arith.constant 0 : index
    %get3A_137 = vector.load %arg6[%get3A_135, %get3A_136] : memref<2048x768xf32, #tpu.memory_space<vmem>>, vector<256x768xf32>
    %slice3A_138 = vector.extract_strided_slice %broadcast_in_dim3A_32 {offsets = [512, 0], sizes = [256, 1], strides = [1, 1]} : vector<2048x1xf32> to vector<256x1xf32>
    %mul3A_139 = vector.broadcast %slice3A_138 : vector<256x1xf32> to vector<256x768xf32>
    %mul3A_140 = arith.mulf %mul3A_139, %dot_general3A_126 : vector<256x768xf32>
    %slice3A_141 = vector.extract_strided_slice %broadcast_in_dim3A_43 {offsets = [512, 0], sizes = [256, 1], strides = [1, 1]} : vector<2048x1xf32> to vector<256x1xf32>
    %mul3A_142 = vector.broadcast %slice3A_141 : vector<256x1xf32> to vector<256x768xf32>
    %mul3A_143 = arith.mulf %mul3A_142, %dot_general3A_134 : vector<256x768xf32>
    %add3A_144 = arith.addf %mul3A_140, %mul3A_143 : vector<256x768xf32>
    %add3A_145 = arith.addf %get3A_137, %add3A_144 : vector<256x768xf32>
    %swap3A_146 = arith.constant 512 : index
    %swap3A_147 = arith.constant 0 : index
    %swap3A_148 = vector.load %arg6[%swap3A_146, %swap3A_147] : memref<2048x768xf32, #tpu.memory_space<vmem>>, vector<256x768xf32>
    tpu.vector_store %arg6[%swap3A_146, %swap3A_147], %add3A_145 {strides = array<i32>} : memref<2048x768xf32, #tpu.memory_space<vmem>>, vector<256x768xf32>,
    %eq3A_149 = arith.constant 3 : i32
    %eq3A_150 = arith.cmpi eq, %arg0, %eq3A_149 : i32
    %convert_element_type3A_151 = arith.extui %eq3A_150 : i1 to i32
    %cond3A_152 = arith.constant 0 : i32
    %cond3A_153 = arith.cmpi ne, %convert_element_type3A_151, %cond3A_152 : i32
    scf.if %cond3A_153 {
      %dma_start3A = arith.constant 2 : i32
      %dma_start3A_349 = tpu.memref_slice %arg7[%dma_start3A] : memref<8x!tpu.dma_semaphore, #tpu.memory_space<semaphore_mem>> -> memref<1x!tpu.dma_semaphore, #tpu.memory_space<semaphore_mem>>
      %dma_start3A_350 = tpu.memref_squeeze %dma_start3A_349 : memref<1x!tpu.dma_semaphore, #tpu.memory_space<semaphore_mem>> -> memref<!tpu.dma_semaphore, #tpu.memory_space<semaphore_mem>>
      %dma_start3A_351 = arith.constant 512 : i32
      %dma_start3A_352 = arith.constant 0 : i32
      %dma_start3A_353 = tpu.memref_slice %arg5[%dma_start3A_351, %dma_start3A_352] : memref<2048x768xf32, #tpu.memory_space<any>> -> memref<256x768xf32, #tpu.memory_space<any>>
      %dma_start3A_354 = arith.constant 512 : i32
      %dma_start3A_355 = arith.constant 0 : i32
      %dma_start3A_356 = tpu.memref_slice %arg6[%dma_start3A_354, %dma_start3A_355] : memref<2048x768xf32, #tpu.memory_space<vmem>> -> memref<256x768xf32, #tpu.memory_space<vmem>>
      tpu.enqueue_dma source(%dma_start3A_356 : memref<256x768xf32, #tpu.memory_space<vmem>>) target(%dma_start3A_353 : memref<256x768xf32, #tpu.memory_space<any>>) target_semaphore(%dma_start3A_350 : memref<!tpu.dma_semaphore, #tpu.memory_space<semaphore_mem>>)
    } else {
    }
    %get3A_154 = arith.constant 768 : index
    %get3A_155 = arith.constant 0 : index
    %get3A_156 = vector.load %arg1[%get3A_154, %get3A_155] : memref<2048x768xbf16, #tpu.memory_space<vmem>>, vector<256x768xbf16>
    %dot_general3A_157 = arith.constant dense<0.000000e+00> : vector<256x768xf32>
    %dot_general3A_158 = tpu.matmul %get3A_156, %convert_element_type3A_6, %dot_general3A_157 {dimension_numbers = #tpu.dot_dimension_numbers<[1], [0], [0], [1], [0, 0, 1, 1], [], []>, transpose_lhs_hint = false} : vector<256x768xbf16>, vector<768x768xbf16>, vector<256x768xf32> -> vector<256x768xf32>
    %max3A_159 = arith.constant 0.000000e+00 : f32
    %max3A_160 = vector.broadcast %max3A_159 : f32 to vector<256x768xf32>
    %max3A_161 = arith.maximumf %dot_general3A_158, %max3A_160 : vector<256x768xf32>
    %convert_element_type3A_162 = arith.truncf %max3A_161 : vector<256x768xf32> to vector<256x768xbf16>
    %dot_general3A_163 = arith.constant dense<0.000000e+00> : vector<256x768xf32>
    %dot_general3A_164 = tpu.matmul %convert_element_type3A_162, %convert_element_type3A_12, %dot_general3A_163 {dimension_numbers = #tpu.dot_dimension_numbers<[1], [0], [0], [1], [0, 0, 1, 1], [], []>, transpose_lhs_hint = false} : vector<256x768xbf16>, vector<768x768xbf16>, vector<256x768xf32> -> vector<256x768xf32>
    %dot_general3A_165 = arith.constant dense<0.000000e+00> : vector<256x768xf32>
    %dot_general3A_166 = tpu.matmul %get3A_156, %convert_element_type3A_18, %dot_general3A_165 {dimension_numbers = #tpu.dot_dimension_numbers<[1], [0], [0], [1], [0, 0, 1, 1], [], []>, transpose_lhs_hint = false} : vector<256x768xbf16>, vector<768x768xbf16>, vector<256x768xf32> -> vector<256x768xf32>
    %max3A_167 = arith.constant 0.000000e+00 : f32
    %max3A_168 = vector.broadcast %max3A_167 : f32 to vector<256x768xf32>
    %max3A_169 = arith.maximumf %dot_general3A_166, %max3A_168 : vector<256x768xf32>
    %convert_element_type3A_170 = arith.truncf %max3A_169 : vector<256x768xf32> to vector<256x768xbf16>
    %dot_general3A_171 = arith.constant dense<0.000000e+00> : vector<256x768xf32>
    %dot_general3A_172 = tpu.matmul %convert_element_type3A_170, %convert_element_type3A_24, %dot_general3A_171 {dimension_numbers = #tpu.dot_dimension_numbers<[1], [0], [0], [1], [0, 0, 1, 1], [], []>, transpose_lhs_hint = false} : vector<256x768xbf16>, vector<768x768xbf16>, vector<256x768xf32> -> vector<256x768xf32>
    %get3A_173 = arith.constant 768 : index
    %get3A_174 = arith.constant 0 : index
    %get3A_175 = vector.load %arg6[%get3A_173, %get3A_174] : memref<2048x768xf32, #tpu.memory_space<vmem>>, vector<256x768xf32>
    %slice3A_176 = vector.extract_strided_slice %broadcast_in_dim3A_32 {offsets = [768, 0], sizes = [256, 1], strides = [1, 1]} : vector<2048x1xf32> to vector<256x1xf32>
    %mul3A_177 = vector.broadcast %slice3A_176 : vector<256x1xf32> to vector<256x768xf32>
    %mul3A_178 = arith.mulf %mul3A_177, %dot_general3A_164 : vector<256x768xf32>
    %slice3A_179 = vector.extract_strided_slice %broadcast_in_dim3A_43 {offsets = [768, 0], sizes = [256, 1], strides = [1, 1]} : vector<2048x1xf32> to vector<256x1xf32>
    %mul3A_180 = vector.broadcast %slice3A_179 : vector<256x1xf32> to vector<256x768xf32>
    %mul3A_181 = arith.mulf %mul3A_180, %dot_general3A_172 : vector<256x768xf32>
    %add3A_182 = arith.addf %mul3A_178, %mul3A_181 : vector<256x768xf32>
    %add3A_183 = arith.addf %get3A_175, %add3A_182 : vector<256x768xf32>
    %swap3A_184 = arith.constant 768 : index
    %swap3A_185 = arith.constant 0 : index
    %swap3A_186 = vector.load %arg6[%swap3A_184, %swap3A_185] : memref<2048x768xf32, #tpu.memory_space<vmem>>, vector<256x768xf32>
    tpu.vector_store %arg6[%swap3A_184, %swap3A_185], %add3A_183 {strides = array<i32>} : memref<2048x768xf32, #tpu.memory_space<vmem>>, vector<256x768xf32>,
    %eq3A_187 = arith.constant 3 : i32
    %eq3A_188 = arith.cmpi eq, %arg0, %eq3A_187 : i32
    %convert_element_type3A_189 = arith.extui %eq3A_188 : i1 to i32
    %cond3A_190 = arith.constant 0 : i32
    %cond3A_191 = arith.cmpi ne, %convert_element_type3A_189, %cond3A_190 : i32
    scf.if %cond3A_191 {
      %dma_start3A = arith.constant 3 : i32
      %dma_start3A_349 = tpu.memref_slice %arg7[%dma_start3A] : memref<8x!tpu.dma_semaphore, #tpu.memory_space<semaphore_mem>> -> memref<1x!tpu.dma_semaphore, #tpu.memory_space<semaphore_mem>>
      %dma_start3A_350 = tpu.memref_squeeze %dma_start3A_349 : memref<1x!tpu.dma_semaphore, #tpu.memory_space<semaphore_mem>> -> memref<!tpu.dma_semaphore, #tpu.memory_space<semaphore_mem>>
      %dma_start3A_351 = arith.constant 768 : i32
      %dma_start3A_352 = arith.constant 0 : i32
      %dma_start3A_353 = tpu.memref_slice %arg5[%dma_start3A_351, %dma_start3A_352] : memref<2048x768xf32, #tpu.memory_space<any>> -> memref<256x768xf32, #tpu.memory_space<any>>
      %dma_start3A_354 = arith.constant 768 : i32
      %dma_start3A_355 = arith.constant 0 : i32
      %dma_start3A_356 = tpu.memref_slice %arg6[%dma_start3A_354, %dma_start3A_355] : memref<2048x768xf32, #tpu.memory_space<vmem>> -> memref<256x768xf32, #tpu.memory_space<vmem>>
      tpu.enqueue_dma source(%dma_start3A_356 : memref<256x768xf32, #tpu.memory_space<vmem>>) target(%dma_start3A_353 : memref<256x768xf32, #tpu.memory_space<any>>) target_semaphore(%dma_start3A_350 : memref<!tpu.dma_semaphore, #tpu.memory_space<semaphore_mem>>)
    } else {
    }
    %get3A_192 = arith.constant 1024 : index
    %get3A_193 = arith.constant 0 : index
    %get3A_194 = vector.load %arg1[%get3A_192, %get3A_193] : memref<2048x768xbf16, #tpu.memory_space<vmem>>, vector<256x768xbf16>
    %dot_general3A_195 = arith.constant dense<0.000000e+00> : vector<256x768xf32>
    %dot_general3A_196 = tpu.matmul %get3A_194, %convert_element_type3A_6, %dot_general3A_195 {dimension_numbers = #tpu.dot_dimension_numbers<[1], [0], [0], [1], [0, 0, 1, 1], [], []>, transpose_lhs_hint = false} : vector<256x768xbf16>, vector<768x768xbf16>, vector<256x768xf32> -> vector<256x768xf32>
    %max3A_197 = arith.constant 0.000000e+00 : f32
    %max3A_198 = vector.broadcast %max3A_197 : f32 to vector<256x768xf32>
    %max3A_199 = arith.maximumf %dot_general3A_196, %max3A_198 : vector<256x768xf32>
    %convert_element_type3A_200 = arith.truncf %max3A_199 : vector<256x768xf32> to vector<256x768xbf16>
    %dot_general3A_201 = arith.constant dense<0.000000e+00> : vector<256x768xf32>
    %dot_general3A_202 = tpu.matmul %convert_element_type3A_200, %convert_element_type3A_12, %dot_general3A_201 {dimension_numbers = #tpu.dot_dimension_numbers<[1], [0], [0], [1], [0, 0, 1, 1], [], []>, transpose_lhs_hint = false} : vector<256x768xbf16>, vector<768x768xbf16>, vector<256x768xf32> -> vector<256x768xf32>
    %dot_general3A_203 = arith.constant dense<0.000000e+00> : vector<256x768xf32>
    %dot_general3A_204 = tpu.matmul %get3A_194, %convert_element_type3A_18, %dot_general3A_203 {dimension_numbers = #tpu.dot_dimension_numbers<[1], [0], [0], [1], [0, 0, 1, 1], [], []>, transpose_lhs_hint = false} : vector<256x768xbf16>, vector<768x768xbf16>, vector<256x768xf32> -> vector<256x768xf32>
    %max3A_205 = arith.constant 0.000000e+00 : f32
    %max3A_206 = vector.broadcast %max3A_205 : f32 to vector<256x768xf32>
    %max3A_207 = arith.maximumf %dot_general3A_204, %max3A_206 : vector<256x768xf32>
    %convert_element_type3A_208 = arith.truncf %max3A_207 : vector<256x768xf32> to vector<256x768xbf16>
    %dot_general3A_209 = arith.constant dense<0.000000e+00> : vector<256x768xf32>
    %dot_general3A_210 = tpu.matmul %convert_element_type3A_208, %convert_element_type3A_24, %dot_general3A_209 {dimension_numbers = #tpu.dot_dimension_numbers<[1], [0], [0], [1], [0, 0, 1, 1], [], []>, transpose_lhs_hint = false} : vector<256x768xbf16>, vector<768x768xbf16>, vector<256x768xf32> -> vector<256x768xf32>
    %get3A_211 = arith.constant 1024 : index
    %get3A_212 = arith.constant 0 : index
    %get3A_213 = vector.load %arg6[%get3A_211, %get3A_212] : memref<2048x768xf32, #tpu.memory_space<vmem>>, vector<256x768xf32>
    %slice3A_214 = vector.extract_strided_slice %broadcast_in_dim3A_32 {offsets = [1024, 0], sizes = [256, 1], strides = [1, 1]} : vector<2048x1xf32> to vector<256x1xf32>
    %mul3A_215 = vector.broadcast %slice3A_214 : vector<256x1xf32> to vector<256x768xf32>
    %mul3A_216 = arith.mulf %mul3A_215, %dot_general3A_202 : vector<256x768xf32>
    %slice3A_217 = vector.extract_strided_slice %broadcast_in_dim3A_43 {offsets = [1024, 0], sizes = [256, 1], strides = [1, 1]} : vector<2048x1xf32> to vector<256x1xf32>
    %mul3A_218 = vector.broadcast %slice3A_217 : vector<256x1xf32> to vector<256x768xf32>
    %mul3A_219 = arith.mulf %mul3A_218, %dot_general3A_210 : vector<256x768xf32>
    %add3A_220 = arith.addf %mul3A_216, %mul3A_219 : vector<256x768xf32>
    %add3A_221 = arith.addf %get3A_213, %add3A_220 : vector<256x768xf32>
    %swap3A_222 = arith.constant 1024 : index
    %swap3A_223 = arith.constant 0 : index
    %swap3A_224 = vector.load %arg6[%swap3A_222, %swap3A_223] : memref<2048x768xf32, #tpu.memory_space<vmem>>, vector<256x768xf32>
    tpu.vector_store %arg6[%swap3A_222, %swap3A_223], %add3A_221 {strides = array<i32>} : memref<2048x768xf32, #tpu.memory_space<vmem>>, vector<256x768xf32>,
    %eq3A_225 = arith.constant 3 : i32
    %eq3A_226 = arith.cmpi eq, %arg0, %eq3A_225 : i32
    %convert_element_type3A_227 = arith.extui %eq3A_226 : i1 to i32
    %cond3A_228 = arith.constant 0 : i32
    %cond3A_229 = arith.cmpi ne, %convert_element_type3A_227, %cond3A_228 : i32
    scf.if %cond3A_229 {
      %dma_start3A = arith.constant 4 : i32
      %dma_start3A_349 = tpu.memref_slice %arg7[%dma_start3A] : memref<8x!tpu.dma_semaphore, #tpu.memory_space<semaphore_mem>> -> memref<1x!tpu.dma_semaphore, #tpu.memory_space<semaphore_mem>>
      %dma_start3A_350 = tpu.memref_squeeze %dma_start3A_349 : memref<1x!tpu.dma_semaphore, #tpu.memory_space<semaphore_mem>> -> memref<!tpu.dma_semaphore, #tpu.memory_space<semaphore_mem>>
      %dma_start3A_351 = arith.constant 1024 : i32
      %dma_start3A_352 = arith.constant 0 : i32
      %dma_start3A_353 = tpu.memref_slice %arg5[%dma_start3A_351, %dma_start3A_352] : memref<2048x768xf32, #tpu.memory_space<any>> -> memref<256x768xf32, #tpu.memory_space<any>>
      %dma_start3A_354 = arith.constant 1024 : i32
      %dma_start3A_355 = arith.constant 0 : i32
      %dma_start3A_356 = tpu.memref_slice %arg6[%dma_start3A_354, %dma_start3A_355] : memref<2048x768xf32, #tpu.memory_space<vmem>> -> memref<256x768xf32, #tpu.memory_space<vmem>>
      tpu.enqueue_dma source(%dma_start3A_356 : memref<256x768xf32, #tpu.memory_space<vmem>>) target(%dma_start3A_353 : memref<256x768xf32, #tpu.memory_space<any>>) target_semaphore(%dma_start3A_350 : memref<!tpu.dma_semaphore, #tpu.memory_space<semaphore_mem>>)
    } else {
    }
    %get3A_230 = arith.constant 1280 : index
    %get3A_231 = arith.constant 0 : index
    %get3A_232 = vector.load %arg1[%get3A_230, %get3A_231] : memref<2048x768xbf16, #tpu.memory_space<vmem>>, vector<256x768xbf16>
    %dot_general3A_233 = arith.constant dense<0.000000e+00> : vector<256x768xf32>
    %dot_general3A_234 = tpu.matmul %get3A_232, %convert_element_type3A_6, %dot_general3A_233 {dimension_numbers = #tpu.dot_dimension_numbers<[1], [0], [0], [1], [0, 0, 1, 1], [], []>, transpose_lhs_hint = false} : vector<256x768xbf16>, vector<768x768xbf16>, vector<256x768xf32> -> vector<256x768xf32>
    %max3A_235 = arith.constant 0.000000e+00 : f32
    %max3A_236 = vector.broadcast %max3A_235 : f32 to vector<256x768xf32>
    %max3A_237 = arith.maximumf %dot_general3A_234, %max3A_236 : vector<256x768xf32>
    %convert_element_type3A_238 = arith.truncf %max3A_237 : vector<256x768xf32> to vector<256x768xbf16>
    %dot_general3A_239 = arith.constant dense<0.000000e+00> : vector<256x768xf32>
    %dot_general3A_240 = tpu.matmul %convert_element_type3A_238, %convert_element_type3A_12, %dot_general3A_239 {dimension_numbers = #tpu.dot_dimension_numbers<[1], [0], [0], [1], [0, 0, 1, 1], [], []>, transpose_lhs_hint = false} : vector<256x768xbf16>, vector<768x768xbf16>, vector<256x768xf32> -> vector<256x768xf32>
    %dot_general3A_241 = arith.constant dense<0.000000e+00> : vector<256x768xf32>
    %dot_general3A_242 = tpu.matmul %get3A_232, %convert_element_type3A_18, %dot_general3A_241 {dimension_numbers = #tpu.dot_dimension_numbers<[1], [0], [0], [1], [0, 0, 1, 1], [], []>, transpose_lhs_hint = false} : vector<256x768xbf16>, vector<768x768xbf16>, vector<256x768xf32> -> vector<256x768xf32>
    %max3A_243 = arith.constant 0.000000e+00 : f32
    %max3A_244 = vector.broadcast %max3A_243 : f32 to vector<256x768xf32>
    %max3A_245 = arith.maximumf %dot_general3A_242, %max3A_244 : vector<256x768xf32>
    %convert_element_type3A_246 = arith.truncf %max3A_245 : vector<256x768xf32> to vector<256x768xbf16>
    %dot_general3A_247 = arith.constant dense<0.000000e+00> : vector<256x768xf32>
    %dot_general3A_248 = tpu.matmul %convert_element_type3A_246, %convert_element_type3A_24, %dot_general3A_247 {dimension_numbers = #tpu.dot_dimension_numbers<[1], [0], [0], [1], [0, 0, 1, 1], [], []>, transpose_lhs_hint = false} : vector<256x768xbf16>, vector<768x768xbf16>, vector<256x768xf32> -> vector<256x768xf32>
    %get3A_249 = arith.constant 1280 : index
    %get3A_250 = arith.constant 0 : index
    %get3A_251 = vector.load %arg6[%get3A_249, %get3A_250] : memref<2048x768xf32, #tpu.memory_space<vmem>>, vector<256x768xf32>
    %slice3A_252 = vector.extract_strided_slice %broadcast_in_dim3A_32 {offsets = [1280, 0], sizes = [256, 1], strides = [1, 1]} : vector<2048x1xf32> to vector<256x1xf32>
    %mul3A_253 = vector.broadcast %slice3A_252 : vector<256x1xf32> to vector<256x768xf32>
    %mul3A_254 = arith.mulf %mul3A_253, %dot_general3A_240 : vector<256x768xf32>
    %slice3A_255 = vector.extract_strided_slice %broadcast_in_dim3A_43 {offsets = [1280, 0], sizes = [256, 1], strides = [1, 1]} : vector<2048x1xf32> to vector<256x1xf32>
    %mul3A_256 = vector.broadcast %slice3A_255 : vector<256x1xf32> to vector<256x768xf32>
    %mul3A_257 = arith.mulf %mul3A_256, %dot_general3A_248 : vector<256x768xf32>
    %add3A_258 = arith.addf %mul3A_254, %mul3A_257 : vector<256x768xf32>
    %add3A_259 = arith.addf %get3A_251, %add3A_258 : vector<256x768xf32>
    %swap3A_260 = arith.constant 1280 : index
    %swap3A_261 = arith.constant 0 : index
    %swap3A_262 = vector.load %arg6[%swap3A_260, %swap3A_261] : memref<2048x768xf32, #tpu.memory_space<vmem>>, vector<256x768xf32>
    tpu.vector_store %arg6[%swap3A_260, %swap3A_261], %add3A_259 {strides = array<i32>} : memref<2048x768xf32, #tpu.memory_space<vmem>>, vector<256x768xf32>,
    %eq3A_263 = arith.constant 3 : i32
    %eq3A_264 = arith.cmpi eq, %arg0, %eq3A_263 : i32
    %convert_element_type3A_265 = arith.extui %eq3A_264 : i1 to i32
    %cond3A_266 = arith.constant 0 : i32
    %cond3A_267 = arith.cmpi ne, %convert_element_type3A_265, %cond3A_266 : i32
    scf.if %cond3A_267 {
      %dma_start3A = arith.constant 5 : i32
      %dma_start3A_349 = tpu.memref_slice %arg7[%dma_start3A] : memref<8x!tpu.dma_semaphore, #tpu.memory_space<semaphore_mem>> -> memref<1x!tpu.dma_semaphore, #tpu.memory_space<semaphore_mem>>
      %dma_start3A_350 = tpu.memref_squeeze %dma_start3A_349 : memref<1x!tpu.dma_semaphore, #tpu.memory_space<semaphore_mem>> -> memref<!tpu.dma_semaphore, #tpu.memory_space<semaphore_mem>>
      %dma_start3A_351 = arith.constant 1280 : i32
      %dma_start3A_352 = arith.constant 0 : i32
      %dma_start3A_353 = tpu.memref_slice %arg5[%dma_start3A_351, %dma_start3A_352] : memref<2048x768xf32, #tpu.memory_space<any>> -> memref<256x768xf32, #tpu.memory_space<any>>
      %dma_start3A_354 = arith.constant 1280 : i32
      %dma_start3A_355 = arith.constant 0 : i32
      %dma_start3A_356 = tpu.memref_slice %arg6[%dma_start3A_354, %dma_start3A_355] : memref<2048x768xf32, #tpu.memory_space<vmem>> -> memref<256x768xf32, #tpu.memory_space<vmem>>
      tpu.enqueue_dma source(%dma_start3A_356 : memref<256x768xf32, #tpu.memory_space<vmem>>) target(%dma_start3A_353 : memref<256x768xf32, #tpu.memory_space<any>>) target_semaphore(%dma_start3A_350 : memref<!tpu.dma_semaphore, #tpu.memory_space<semaphore_mem>>)
    } else {
    }
    %get3A_268 = arith.constant 1536 : index
    %get3A_269 = arith.constant 0 : index
    %get3A_270 = vector.load %arg1[%get3A_268, %get3A_269] : memref<2048x768xbf16, #tpu.memory_space<vmem>>, vector<256x768xbf16>
    %dot_general3A_271 = arith.constant dense<0.000000e+00> : vector<256x768xf32>
    %dot_general3A_272 = tpu.matmul %get3A_270, %convert_element_type3A_6, %dot_general3A_271 {dimension_numbers = #tpu.dot_dimension_numbers<[1], [0], [0], [1], [0, 0, 1, 1], [], []>, transpose_lhs_hint = false} : vector<256x768xbf16>, vector<768x768xbf16>, vector<256x768xf32> -> vector<256x768xf32>
    %max3A_273 = arith.constant 0.000000e+00 : f32
    %max3A_274 = vector.broadcast %max3A_273 : f32 to vector<256x768xf32>
    %max3A_275 = arith.maximumf %dot_general3A_272, %max3A_274 : vector<256x768xf32>
    %convert_element_type3A_276 = arith.truncf %max3A_275 : vector<256x768xf32> to vector<256x768xbf16>
    %dot_general3A_277 = arith.constant dense<0.000000e+00> : vector<256x768xf32>
    %dot_general3A_278 = tpu.matmul %convert_element_type3A_276, %convert_element_type3A_12, %dot_general3A_277 {dimension_numbers = #tpu.dot_dimension_numbers<[1], [0], [0], [1], [0, 0, 1, 1], [], []>, transpose_lhs_hint = false} : vector<256x768xbf16>, vector<768x768xbf16>, vector<256x768xf32> -> vector<256x768xf32>
    %dot_general3A_279 = arith.constant dense<0.000000e+00> : vector<256x768xf32>
    %dot_general3A_280 = tpu.matmul %get3A_270, %convert_element_type3A_18, %dot_general3A_279 {dimension_numbers = #tpu.dot_dimension_numbers<[1], [0], [0], [1], [0, 0, 1, 1], [], []>, transpose_lhs_hint = false} : vector<256x768xbf16>, vector<768x768xbf16>, vector<256x768xf32> -> vector<256x768xf32>
    %max3A_281 = arith.constant 0.000000e+00 : f32
    %max3A_282 = vector.broadcast %max3A_281 : f32 to vector<256x768xf32>
    %max3A_283 = arith.maximumf %dot_general3A_280, %max3A_282 : vector<256x768xf32>
    %convert_element_type3A_284 = arith.truncf %max3A_283 : vector<256x768xf32> to vector<256x768xbf16>
    %dot_general3A_285 = arith.constant dense<0.000000e+00> : vector<256x768xf32>
    %dot_general3A_286 = tpu.matmul %convert_element_type3A_284, %convert_element_type3A_24, %dot_general3A_285 {dimension_numbers = #tpu.dot_dimension_numbers<[1], [0], [0], [1], [0, 0, 1, 1], [], []>, transpose_lhs_hint = false} : vector<256x768xbf16>, vector<768x768xbf16>, vector<256x768xf32> -> vector<256x768xf32>
    %get3A_287 = arith.constant 1536 : index
    %get3A_288 = arith.constant 0 : index
    %get3A_289 = vector.load %arg6[%get3A_287, %get3A_288] : memref<2048x768xf32, #tpu.memory_space<vmem>>, vector<256x768xf32>
    %slice3A_290 = vector.extract_strided_slice %broadcast_in_dim3A_32 {offsets = [1536, 0], sizes = [256, 1], strides = [1, 1]} : vector<2048x1xf32> to vector<256x1xf32>
    %mul3A_291 = vector.broadcast %slice3A_290 : vector<256x1xf32> to vector<256x768xf32>
    %mul3A_292 = arith.mulf %mul3A_291, %dot_general3A_278 : vector<256x768xf32>
    %slice3A_293 = vector.extract_strided_slice %broadcast_in_dim3A_43 {offsets = [1536, 0], sizes = [256, 1], strides = [1, 1]} : vector<2048x1xf32> to vector<256x1xf32>
    %mul3A_294 = vector.broadcast %slice3A_293 : vector<256x1xf32> to vector<256x768xf32>
    %mul3A_295 = arith.mulf %mul3A_294, %dot_general3A_286 : vector<256x768xf32>
    %add3A_296 = arith.addf %mul3A_292, %mul3A_295 : vector<256x768xf32>
    %add3A_297 = arith.addf %get3A_289, %add3A_296 : vector<256x768xf32>
    %swap3A_298 = arith.constant 1536 : index
    %swap3A_299 = arith.constant 0 : index
    %swap3A_300 = vector.load %arg6[%swap3A_298, %swap3A_299] : memref<2048x768xf32, #tpu.memory_space<vmem>>, vector<256x768xf32>
    tpu.vector_store %arg6[%swap3A_298, %swap3A_299], %add3A_297 {strides = array<i32>} : memref<2048x768xf32, #tpu.memory_space<vmem>>, vector<256x768xf32>,
    %eq3A_301 = arith.constant 3 : i32
    %eq3A_302 = arith.cmpi eq, %arg0, %eq3A_301 : i32
    %convert_element_type3A_303 = arith.extui %eq3A_302 : i1 to i32
    %cond3A_304 = arith.constant 0 : i32
    %cond3A_305 = arith.cmpi ne, %convert_element_type3A_303, %cond3A_304 : i32
    scf.if %cond3A_305 {
      %dma_start3A = arith.constant 6 : i32
      %dma_start3A_349 = tpu.memref_slice %arg7[%dma_start3A] : memref<8x!tpu.dma_semaphore, #tpu.memory_space<semaphore_mem>> -> memref<1x!tpu.dma_semaphore, #tpu.memory_space<semaphore_mem>>
      %dma_start3A_350 = tpu.memref_squeeze %dma_start3A_349 : memref<1x!tpu.dma_semaphore, #tpu.memory_space<semaphore_mem>> -> memref<!tpu.dma_semaphore, #tpu.memory_space<semaphore_mem>>
      %dma_start3A_351 = arith.constant 1536 : i32
      %dma_start3A_352 = arith.constant 0 : i32
      %dma_start3A_353 = tpu.memref_slice %arg5[%dma_start3A_351, %dma_start3A_352] : memref<2048x768xf32, #tpu.memory_space<any>> -> memref<256x768xf32, #tpu.memory_space<any>>
      %dma_start3A_354 = arith.constant 1536 : i32
      %dma_start3A_355 = arith.constant 0 : i32
      %dma_start3A_356 = tpu.memref_slice %arg6[%dma_start3A_354, %dma_start3A_355] : memref<2048x768xf32, #tpu.memory_space<vmem>> -> memref<256x768xf32, #tpu.memory_space<vmem>>
      tpu.enqueue_dma source(%dma_start3A_356 : memref<256x768xf32, #tpu.memory_space<vmem>>) target(%dma_start3A_353 : memref<256x768xf32, #tpu.memory_space<any>>) target_semaphore(%dma_start3A_350 : memref<!tpu.dma_semaphore, #tpu.memory_space<semaphore_mem>>)
    } else {
    }
    %get3A_306 = arith.constant 1792 : index
    %get3A_307 = arith.constant 0 : index
    %get3A_308 = vector.load %arg1[%get3A_306, %get3A_307] : memref<2048x768xbf16, #tpu.memory_space<vmem>>, vector<256x768xbf16>
    %dot_general3A_309 = arith.constant dense<0.000000e+00> : vector<256x768xf32>
    %dot_general3A_310 = tpu.matmul %get3A_308, %convert_element_type3A_6, %dot_general3A_309 {dimension_numbers = #tpu.dot_dimension_numbers<[1], [0], [0], [1], [0, 0, 1, 1], [], []>, transpose_lhs_hint = false} : vector<256x768xbf16>, vector<768x768xbf16>, vector<256x768xf32> -> vector<256x768xf32>
    %max3A_311 = arith.constant 0.000000e+00 : f32
    %max3A_312 = vector.broadcast %max3A_311 : f32 to vector<256x768xf32>
    %max3A_313 = arith.maximumf %dot_general3A_310, %max3A_312 : vector<256x768xf32>
    %convert_element_type3A_314 = arith.truncf %max3A_313 : vector<256x768xf32> to vector<256x768xbf16>
    %dot_general3A_315 = arith.constant dense<0.000000e+00> : vector<256x768xf32>
    %dot_general3A_316 = tpu.matmul %convert_element_type3A_314, %convert_element_type3A_12, %dot_general3A_315 {dimension_numbers = #tpu.dot_dimension_numbers<[1], [0], [0], [1], [0, 0, 1, 1], [], []>, transpose_lhs_hint = false} : vector<256x768xbf16>, vector<768x768xbf16>, vector<256x768xf32> -> vector<256x768xf32>
    %dot_general3A_317 = arith.constant dense<0.000000e+00> : vector<256x768xf32>
    %dot_general3A_318 = tpu.matmul %get3A_308, %convert_element_type3A_18, %dot_general3A_317 {dimension_numbers = #tpu.dot_dimension_numbers<[1], [0], [0], [1], [0, 0, 1, 1], [], []>, transpose_lhs_hint = false} : vector<256x768xbf16>, vector<768x768xbf16>, vector<256x768xf32> -> vector<256x768xf32>
    %max3A_319 = arith.constant 0.000000e+00 : f32
    %max3A_320 = vector.broadcast %max3A_319 : f32 to vector<256x768xf32>
    %max3A_321 = arith.maximumf %dot_general3A_318, %max3A_320 : vector<256x768xf32>
    %convert_element_type3A_322 = arith.truncf %max3A_321 : vector<256x768xf32> to vector<256x768xbf16>
    %dot_general3A_323 = arith.constant dense<0.000000e+00> : vector<256x768xf32>
    %dot_general3A_324 = tpu.matmul %convert_element_type3A_322, %convert_element_type3A_24, %dot_general3A_323 {dimension_numbers = #tpu.dot_dimension_numbers<[1], [0], [0], [1], [0, 0, 1, 1], [], []>, transpose_lhs_hint = false} : vector<256x768xbf16>, vector<768x768xbf16>, vector<256x768xf32> -> vector<256x768xf32>
    %get3A_325 = arith.constant 1792 : index
    %get3A_326 = arith.constant 0 : index
    %get3A_327 = vector.load %arg6[%get3A_325, %get3A_326] : memref<2048x768xf32, #tpu.memory_space<vmem>>, vector<256x768xf32>
    %slice3A_328 = vector.extract_strided_slice %broadcast_in_dim3A_32 {offsets = [1792, 0], sizes = [256, 1], strides = [1, 1]} : vector<2048x1xf32> to vector<256x1xf32>
    %mul3A_329 = vector.broadcast %slice3A_328 : vector<256x1xf32> to vector<256x768xf32>
    %mul3A_330 = arith.mulf %mul3A_329, %dot_general3A_316 : vector<256x768xf32>
    %slice3A_331 = vector.extract_strided_slice %broadcast_in_dim3A_43 {offsets = [1792, 0], sizes = [256, 1], strides = [1, 1]} : vector<2048x1xf32> to vector<256x1xf32>
    %mul3A_332 = vector.broadcast %slice3A_331 : vector<256x1xf32> to vector<256x768xf32>
    %mul3A_333 = arith.mulf %mul3A_332, %dot_general3A_324 : vector<256x768xf32>
    %add3A_334 = arith.addf %mul3A_330, %mul3A_333 : vector<256x768xf32>
    %add3A_335 = arith.addf %get3A_327, %add3A_334 : vector<256x768xf32>
    %swap3A_336 = arith.constant 1792 : index
    %swap3A_337 = arith.constant 0 : index
    %swap3A_338 = vector.load %arg6[%swap3A_336, %swap3A_337] : memref<2048x768xf32, #tpu.memory_space<vmem>>, vector<256x768xf32>
    tpu.vector_store %arg6[%swap3A_336, %swap3A_337], %add3A_335 {strides = array<i32>} : memref<2048x768xf32, #tpu.memory_space<vmem>>, vector<256x768xf32>,
    %eq3A_339 = arith.constant 3 : i32
    %eq3A_340 = arith.cmpi eq, %arg0, %eq3A_339 : i32
    %convert_element_type3A_341 = arith.extui %eq3A_340 : i1 to i32
    %cond3A_342 = arith.constant 0 : i32
    %cond3A_343 = arith.cmpi ne, %convert_element_type3A_341, %cond3A_342 : i32
    scf.if %cond3A_343 {
      %dma_start3A = arith.constant 7 : i32
      %dma_start3A_349 = tpu.memref_slice %arg7[%dma_start3A] : memref<8x!tpu.dma_semaphore, #tpu.memory_space<semaphore_mem>> -> memref<1x!tpu.dma_semaphore, #tpu.memory_space<semaphore_mem>>
      %dma_start3A_350 = tpu.memref_squeeze %dma_start3A_349 : memref<1x!tpu.dma_semaphore, #tpu.memory_space<semaphore_mem>> -> memref<!tpu.dma_semaphore, #tpu.memory_space<semaphore_mem>>
      %dma_start3A_351 = arith.constant 1792 : i32
      %dma_start3A_352 = arith.constant 0 : i32
      %dma_start3A_353 = tpu.memref_slice %arg5[%dma_start3A_351, %dma_start3A_352] : memref<2048x768xf32, #tpu.memory_space<any>> -> memref<256x768xf32, #tpu.memory_space<any>>
      %dma_start3A_354 = arith.constant 1792 : i32
      %dma_start3A_355 = arith.constant 0 : i32
      %dma_start3A_356 = tpu.memref_slice %arg6[%dma_start3A_354, %dma_start3A_355] : memref<2048x768xf32, #tpu.memory_space<vmem>> -> memref<256x768xf32, #tpu.memory_space<vmem>>
      tpu.enqueue_dma source(%dma_start3A_356 : memref<256x768xf32, #tpu.memory_space<vmem>>) target(%dma_start3A_353 : memref<256x768xf32, #tpu.memory_space<any>>) target_semaphore(%dma_start3A_350 : memref<!tpu.dma_semaphore, #tpu.memory_space<semaphore_mem>>)
    } else {
    }
    %eq3A_344 = arith.constant 3 : i32
    %eq3A_345 = arith.cmpi eq, %arg0, %eq3A_344 : i32
    %convert_element_type3A_346 = arith.extui %eq3A_345 : i1 to i32
    %cond3A_347 = arith.constant 0 : i32
    %cond3A_348 = arith.cmpi ne, %convert_element_type3A_346, %cond3A_347 : i32
    scf.if %cond3A_348 {
      %dma_wait3A = arith.constant 0 : i32
      %dma_wait3A_349 = tpu.memref_slice %arg7[%dma_wait3A] : memref<8x!tpu.dma_semaphore, #tpu.memory_space<semaphore_mem>> -> memref<1x!tpu.dma_semaphore, #tpu.memory_space<semaphore_mem>>
      %dma_wait3A_350 = tpu.memref_squeeze %dma_wait3A_349 : memref<1x!tpu.dma_semaphore, #tpu.memory_space<semaphore_mem>> -> memref<!tpu.dma_semaphore, #tpu.memory_space<semaphore_mem>>
      %dma_wait3A_351 = arith.constant 0 : i32
      %dma_wait3A_352 = arith.constant 0 : i32
      %dma_wait3A_353 = tpu.memref_slice %arg5[%dma_wait3A_351, %dma_wait3A_352] : memref<2048x768xf32, #tpu.memory_space<any>> -> memref<256x768xf32, #tpu.memory_space<any>>
      %dma_wait3A_354 = arith.constant 0 : i32
      %dma_wait3A_355 = arith.constant 0 : i32
      %dma_wait3A_356 = tpu.memref_slice %arg6[%dma_wait3A_354, %dma_wait3A_355] : memref<2048x768xf32, #tpu.memory_space<vmem>> -> memref<256x768xf32, #tpu.memory_space<vmem>>
      tpu.wait_dma2 semaphore(%dma_wait3A_350 : memref<!tpu.dma_semaphore, #tpu.memory_space<semaphore_mem>>) src(%dma_wait3A_356 : memref<256x768xf32, #tpu.memory_space<vmem>>) dst(%dma_wait3A_353 : memref<256x768xf32, #tpu.memory_space<any>>)
      %dma_wait3A_357 = arith.constant 1 : i32
      %dma_wait3A_358 = tpu.memref_slice %arg7[%dma_wait3A_357] : memref<8x!tpu.dma_semaphore, #tpu.memory_space<semaphore_mem>> -> memref<1x!tpu.dma_semaphore, #tpu.memory_space<semaphore_mem>>
      %dma_wait3A_359 = tpu.memref_squeeze %dma_wait3A_358 : memref<1x!tpu.dma_semaphore, #tpu.memory_space<semaphore_mem>> -> memref<!tpu.dma_semaphore, #tpu.memory_space<semaphore_mem>>
      %dma_wait3A_360 = arith.constant 256 : i32
      %dma_wait3A_361 = arith.constant 0 : i32
      %dma_wait3A_362 = tpu.memref_slice %arg5[%dma_wait3A_360, %dma_wait3A_361] : memref<2048x768xf32, #tpu.memory_space<any>> -> memref<256x768xf32, #tpu.memory_space<any>>
      %dma_wait3A_363 = arith.constant 256 : i32
      %dma_wait3A_364 = arith.constant 0 : i32
      %dma_wait3A_365 = tpu.memref_slice %arg6[%dma_wait3A_363, %dma_wait3A_364] : memref<2048x768xf32, #tpu.memory_space<vmem>> -> memref<256x768xf32, #tpu.memory_space<vmem>>
      tpu.wait_dma2 semaphore(%dma_wait3A_359 : memref<!tpu.dma_semaphore, #tpu.memory_space<semaphore_mem>>) src(%dma_wait3A_365 : memref<256x768xf32, #tpu.memory_space<vmem>>) dst(%dma_wait3A_362 : memref<256x768xf32, #tpu.memory_space<any>>)
      %dma_wait3A_366 = arith.constant 2 : i32
      %dma_wait3A_367 = tpu.memref_slice %arg7[%dma_wait3A_366] : memref<8x!tpu.dma_semaphore, #tpu.memory_space<semaphore_mem>> -> memref<1x!tpu.dma_semaphore, #tpu.memory_space<semaphore_mem>>
      %dma_wait3A_368 = tpu.memref_squeeze %dma_wait3A_367 : memref<1x!tpu.dma_semaphore, #tpu.memory_space<semaphore_mem>> -> memref<!tpu.dma_semaphore, #tpu.memory_space<semaphore_mem>>
      %dma_wait3A_369 = arith.constant 512 : i32
      %dma_wait3A_370 = arith.constant 0 : i32
      %dma_wait3A_371 = tpu.memref_slice %arg5[%dma_wait3A_369, %dma_wait3A_370] : memref<2048x768xf32, #tpu.memory_space<any>> -> memref<256x768xf32, #tpu.memory_space<any>>
      %dma_wait3A_372 = arith.constant 512 : i32
      %dma_wait3A_373 = arith.constant 0 : i32
      %dma_wait3A_374 = tpu.memref_slice %arg6[%dma_wait3A_372, %dma_wait3A_373] : memref<2048x768xf32, #tpu.memory_space<vmem>> -> memref<256x768xf32, #tpu.memory_space<vmem>>
      tpu.wait_dma2 semaphore(%dma_wait3A_368 : memref<!tpu.dma_semaphore, #tpu.memory_space<semaphore_mem>>) src(%dma_wait3A_374 : memref<256x768xf32, #tpu.memory_space<vmem>>) dst(%dma_wait3A_371 : memref<256x768xf32, #tpu.memory_space<any>>)
      %dma_wait3A_375 = arith.constant 3 : i32
      %dma_wait3A_376 = tpu.memref_slice %arg7[%dma_wait3A_375] : memref<8x!tpu.dma_semaphore, #tpu.memory_space<semaphore_mem>> -> memref<1x!tpu.dma_semaphore, #tpu.memory_space<semaphore_mem>>
      %dma_wait3A_377 = tpu.memref_squeeze %dma_wait3A_376 : memref<1x!tpu.dma_semaphore, #tpu.memory_space<semaphore_mem>> -> memref<!tpu.dma_semaphore, #tpu.memory_space<semaphore_mem>>
      %dma_wait3A_378 = arith.constant 768 : i32
      %dma_wait3A_379 = arith.constant 0 : i32
      %dma_wait3A_380 = tpu.memref_slice %arg5[%dma_wait3A_378, %dma_wait3A_379] : memref<2048x768xf32, #tpu.memory_space<any>> -> memref<256x768xf32, #tpu.memory_space<any>>
      %dma_wait3A_381 = arith.constant 768 : i32
      %dma_wait3A_382 = arith.constant 0 : i32
      %dma_wait3A_383 = tpu.memref_slice %arg6[%dma_wait3A_381, %dma_wait3A_382] : memref<2048x768xf32, #tpu.memory_space<vmem>> -> memref<256x768xf32, #tpu.memory_space<vmem>>
      tpu.wait_dma2 semaphore(%dma_wait3A_377 : memref<!tpu.dma_semaphore, #tpu.memory_space<semaphore_mem>>) src(%dma_wait3A_383 : memref<256x768xf32, #tpu.memory_space<vmem>>) dst(%dma_wait3A_380 : memref<256x768xf32, #tpu.memory_space<any>>)
      %dma_wait3A_384 = arith.constant 4 : i32
      %dma_wait3A_385 = tpu.memref_slice %arg7[%dma_wait3A_384] : memref<8x!tpu.dma_semaphore, #tpu.memory_space<semaphore_mem>> -> memref<1x!tpu.dma_semaphore, #tpu.memory_space<semaphore_mem>>
      %dma_wait3A_386 = tpu.memref_squeeze %dma_wait3A_385 : memref<1x!tpu.dma_semaphore, #tpu.memory_space<semaphore_mem>> -> memref<!tpu.dma_semaphore, #tpu.memory_space<semaphore_mem>>
      %dma_wait3A_387 = arith.constant 1024 : i32
      %dma_wait3A_388 = arith.constant 0 : i32
      %dma_wait3A_389 = tpu.memref_slice %arg5[%dma_wait3A_387, %dma_wait3A_388] : memref<2048x768xf32, #tpu.memory_space<any>> -> memref<256x768xf32, #tpu.memory_space<any>>
      %dma_wait3A_390 = arith.constant 1024 : i32
      %dma_wait3A_391 = arith.constant 0 : i32
      %dma_wait3A_392 = tpu.memref_slice %arg6[%dma_wait3A_390, %dma_wait3A_391] : memref<2048x768xf32, #tpu.memory_space<vmem>> -> memref<256x768xf32, #tpu.memory_space<vmem>>
      tpu.wait_dma2 semaphore(%dma_wait3A_386 : memref<!tpu.dma_semaphore, #tpu.memory_space<semaphore_mem>>) src(%dma_wait3A_392 : memref<256x768xf32, #tpu.memory_space<vmem>>) dst(%dma_wait3A_389 : memref<256x768xf32, #tpu.memory_space<any>>)
      %dma_wait3A_393 = arith.constant 5 : i32
      %dma_wait3A_394 = tpu.memref_slice %arg7[%dma_wait3A_393] : memref<8x!tpu.dma_semaphore, #tpu.memory_space<semaphore_mem>> -> memref<1x!tpu.dma_semaphore, #tpu.memory_space<semaphore_mem>>
      %dma_wait3A_395 = tpu.memref_squeeze %dma_wait3A_394 : memref<1x!tpu.dma_semaphore, #tpu.memory_space<semaphore_mem>> -> memref<!tpu.dma_semaphore, #tpu.memory_space<semaphore_mem>>
      %dma_wait3A_396 = arith.constant 1280 : i32
      %dma_wait3A_397 = arith.constant 0 : i32
      %dma_wait3A_398 = tpu.memref_slice %arg5[%dma_wait3A_396, %dma_wait3A_397] : memref<2048x768xf32, #tpu.memory_space<any>> -> memref<256x768xf32, #tpu.memory_space<any>>
      %dma_wait3A_399 = arith.constant 1280 : i32
      %dma_wait3A_400 = arith.constant 0 : i32
      %dma_wait3A_401 = tpu.memref_slice %arg6[%dma_wait3A_399, %dma_wait3A_400] : memref<2048x768xf32, #tpu.memory_space<vmem>> -> memref<256x768xf32, #tpu.memory_space<vmem>>
      tpu.wait_dma2 semaphore(%dma_wait3A_395 : memref<!tpu.dma_semaphore, #tpu.memory_space<semaphore_mem>>) src(%dma_wait3A_401 : memref<256x768xf32, #tpu.memory_space<vmem>>) dst(%dma_wait3A_398 : memref<256x768xf32, #tpu.memory_space<any>>)
      %dma_wait3A_402 = arith.constant 6 : i32
      %dma_wait3A_403 = tpu.memref_slice %arg7[%dma_wait3A_402] : memref<8x!tpu.dma_semaphore, #tpu.memory_space<semaphore_mem>> -> memref<1x!tpu.dma_semaphore, #tpu.memory_space<semaphore_mem>>
      %dma_wait3A_404 = tpu.memref_squeeze %dma_wait3A_403 : memref<1x!tpu.dma_semaphore, #tpu.memory_space<semaphore_mem>> -> memref<!tpu.dma_semaphore, #tpu.memory_space<semaphore_mem>>
      %dma_wait3A_405 = arith.constant 1536 : i32
      %dma_wait3A_406 = arith.constant 0 : i32
      %dma_wait3A_407 = tpu.memref_slice %arg5[%dma_wait3A_405, %dma_wait3A_406] : memref<2048x768xf32, #tpu.memory_space<any>> -> memref<256x768xf32, #tpu.memory_space<any>>
      %dma_wait3A_408 = arith.constant 1536 : i32
      %dma_wait3A_409 = arith.constant 0 : i32
      %dma_wait3A_410 = tpu.memref_slice %arg6[%dma_wait3A_408, %dma_wait3A_409] : memref<2048x768xf32, #tpu.memory_space<vmem>> -> memref<256x768xf32, #tpu.memory_space<vmem>>
      tpu.wait_dma2 semaphore(%dma_wait3A_404 : memref<!tpu.dma_semaphore, #tpu.memory_space<semaphore_mem>>) src(%dma_wait3A_410 : memref<256x768xf32, #tpu.memory_space<vmem>>) dst(%dma_wait3A_407 : memref<256x768xf32, #tpu.memory_space<any>>)
      %dma_wait3A_411 = arith.constant 7 : i32
      %dma_wait3A_412 = tpu.memref_slice %arg7[%dma_wait3A_411] : memref<8x!tpu.dma_semaphore, #tpu.memory_space<semaphore_mem>> -> memref<1x!tpu.dma_semaphore, #tpu.memory_space<semaphore_mem>>
      %dma_wait3A_413 = tpu.memref_squeeze %dma_wait3A_412 : memref<1x!tpu.dma_semaphore, #tpu.memory_space<semaphore_mem>> -> memref<!tpu.dma_semaphore, #tpu.memory_space<semaphore_mem>>
      %dma_wait3A_414 = arith.constant 1792 : i32
      %dma_wait3A_415 = arith.constant 0 : i32
      %dma_wait3A_416 = tpu.memref_slice %arg5[%dma_wait3A_414, %dma_wait3A_415] : memref<2048x768xf32, #tpu.memory_space<any>> -> memref<256x768xf32, #tpu.memory_space<any>>
      %dma_wait3A_417 = arith.constant 1792 : i32
      %dma_wait3A_418 = arith.constant 0 : i32
      %dma_wait3A_419 = tpu.memref_slice %arg6[%dma_wait3A_417, %dma_wait3A_418] : memref<2048x768xf32, #tpu.memory_space<vmem>> -> memref<256x768xf32, #tpu.memory_space<vmem>>
      tpu.wait_dma2 semaphore(%dma_wait3A_413 : memref<!tpu.dma_semaphore, #tpu.memory_space<semaphore_mem>>) src(%dma_wait3A_419 : memref<256x768xf32, #tpu.memory_space<vmem>>) dst(%dma_wait3A_416 : memref<256x768xf32, #tpu.memory_space<any>>)
    } else {
    }
    return
  }
  func.func @transform_0(%arg0: i32) -> (i32, i32) {
    %c0_i32 = arith.constant 0 : i32
    %c0_i32_0 = arith.constant 0 : i32
    %c0_i32_1 = arith.constant 0 : i32
    return %c0_i32, %c0_i32_0 : i32, i32
  }
  func.func @transform_1(%arg0: i32) -> (i32, i32) {
    %c0_i32 = arith.constant 0 : i32
    %c0_i32_0 = arith.constant 0 : i32
    %c0_i32_1 = arith.constant 0 : i32
    return %c0_i32, %c0_i32_0 : i32, i32
  }
  func.func @transform_2(%arg0: i32) -> (i32, i32, i32) {
    %c0_i32 = arith.constant 0 : i32
    %c0_i32_0 = arith.constant 0 : i32
    %c0_i32_1 = arith.constant 0 : i32
    return %arg0, %c0_i32, %c0_i32_0 : i32, i32, i32
  }
  func.func @transform_3(%arg0: i32) -> (i32, i32, i32) {
    %c0_i32 = arith.constant 0 : i32
    %c0_i32_0 = arith.constant 0 : i32
    %c0_i32_1 = arith.constant 0 : i32
    return %arg0, %c0_i32, %c0_i32_0 : i32, i32, i32
  }
}

</mosaic_0001>

<sc_bundles>
// kernel: kernel.5.cloned.1.call-start
scs
__scs_entry_jumppad:
0x0: {  	(pc) =	sbr.rel $0x88, $3  }
0x1: {  	(tag) =	ssettag $0x0;
	lr =	simm.s32 $0x1  }
0x2: {  	[smem:$0x3F9C] =	sst lr;
	_ =	strace $0xD0000000  }
0x3: {  	_ = 	snop  }
0x4: {  	_ = 	snop  }
0x5: {  	_ = 	snop  }
0x6: {  	_ = 	snop  }
0x7: {  	_ = 	snop  }
__scs_overlays_trampoline_lowered:
0x8: {  	[smem:$0x3FAB] =	sst s0  }
0x9: {  	[smem:$0x3FAC] =	sst s1  }
0xa: {  	[smem:$0x3FAD] =	sst s2  }
0xb: {  	[smem:$0x3FAE] =	sst s3  }
0xc: {  	[smem:$0x3FAF] =	sst s4  }
0xd: {  	[smem:$0x3FB0] =	sst s5  }
0xe: {  	[smem:$0x3FB1] =	sst s6  }
0xf: {  	[smem:$0x3FB2] =	sst s7  }
0x10: {  	[smem:$0x3FB3] =	sst s8  }
0x11: {  	[smem:$0x3FB4] =	sst s9;
	s0 =	simm.s32 @!p0 $0x0  }
0x12: {  	s1 =	sld [smem:$0x3F9A];
	s0 =	simm.s32 @p0 $0x1  }
0x13: {  	[smem:$0x3FB5] =	sst s0;
	s0 =	simm.s32 @!p1 $0x0  }
0x14: {  	s2 =	sld [smem:$0x3F99];
	s0 =	simm.s32 @p1 $0x1  }
0x15: {  	[smem:$0x3FB6] =	sst s0;
	s0 =	simm.s32 @!p2 $0x0  }
0x16: {  	s3 =	sld [smem:$0x3FDB];
	s0 =	simm.s32 @p2 $0x1  }
0x17: {  	s4 =	simm.s32 $0x1BF5;
	[smem:$0x3FB8] =	sst s0  }
0x18: {  	s0 =	sld [smem:$0x3F9B];
	_ =	swait.ge [sflag:s4], $0x0  }
0x19: {  	s7 =	sld [smem:$0x3F9C]  }
0x1a: {  	s8 =	sadd.s32 $0xFFFFE003, lr  }
0x1b: {  	s9 =	sadd.s32 $0xFFFFFEF7, lr;
	s5 =	simm.s32 $0xFFFFFFFF;
	p2 =	slt.u32 s8, $0xFFFFF086  }
0x1c: {  	p1 =	slt.u32 s9, $0xF7A;
	s5 =	simm.s32 @!p2 $0x0  }
0x1d: {  	s5 =	simm.s32 @p1 $0x1;
	p0 =	seq.s32 s7, s2  }
0x1e: {  	s7 =	smul.u32 @!p0 $0xF7A, s2;
	p2 =	seq.s32 @!p0 s5, $0x0  }
0x1f: {  	s9 =	smul.u32 $0xF7A, s1;
	s8 =	simm.s32 @!p0 $0x1BF5;
	p2 =	por !p2, p0  }
0x20: {  	[sflag:s8] =	ssyncset.s32 @!p0 $0xFFFFF086;
	s6 =	sadd.s32 @!p0 s3, s7;
	s7 =	simm.s32 @!p0 $0x108  }
0x21: {  	s3 =	sadd.s32 s3, s9;
	s6 =	sadd.s32 @!p0 $0x88, s6;
	s7 =	simm.s32 @p2 $0x1082  }
0x22: {  	[simem:s7], [sflag:s8] =	dma.local @!p0 [hbm:s6], $0xF7A  }
0x23: {  	s9 =	sor.u32 $0xD0000000, s2;
	s6 =	simm.s32 $0x108;
	_ =	swait.ge @!p0 [sflag:s8], $0x0  }
0x24: {  	s3 =	sadd.s32 $0x88, s3;
	s6 =	simm.s32 @!p1 $0x1082;
	[sflag:s4] =	ssyncset.s32 $0xFFFFF086  }
0x25: {  	[simem:s6], [sflag:s4] =	dma.local [hbm:s3], $0xF7A  }
0x26: {  	[smem:$0x3F9C] =	sst s1;
	(tag) =	ssettag s2;
	_ =	strace s9  }
0x27: {  	s1 =	sld [smem:$0x3FAC]  }
0x28: {  	s2 =	sld [smem:$0x3FAD]  }
0x29: {  	s4 =	sld [smem:$0x3FAF]  }
0x2a: {  	p0 =	seq.s32 s5, $0x0;
	s5 =	sld [smem:$0x3FB0]  }
0x2b: {  	s6 =	sld [smem:$0x3FB1]  }
0x2c: {  	s7 =	sld [smem:$0x3FB2]  }
0x2d: {  	s3 =	simm.s32 $0x108;
	s8 =	sld [smem:$0x3FB3]  }
0x2e: {  	s3 =	simm.s32 @!p0 $0x1082;
	s9 =	sld [smem:$0x3FB4]  }
0x2f: {  	lr =	sadd.s32 s0, s3;
	s0 =	sld [smem:$0x3FAB]  }
0x30: {  	s3 =	sld [smem:$0x3FAE]  }
0x31: {  	[smem:$0x3FB7] =	sst s10  }
0x32: {  	s10 =	sld [smem:$0x3FB5];
	_ =	sdelay $0x3  }
0x33: {  	p0 =	seq.s32 s10, $0x1;
	s10 =	sld [smem:$0x3FB7];
	_ =	sdelay $0x3  }
0x34: {  	[smem:$0x3FB7] =	sst s10  }
0x35: {  	s10 =	sld [smem:$0x3FB6];
	_ =	sdelay $0x3  }
0x36: {  	p1 =	seq.s32 s10, $0x1;
	s10 =	sld [smem:$0x3FB7];
	_ =	sdelay $0x3  }
0x37: {  	[smem:$0x3FB7] =	sst s10  }
0x38: {  	s10 =	sld [smem:$0x3FB8]  }
0x39: {  	_ = 	snop;
	(pc) =	sbr.ind lr, $3  }
0x3a: {  	_ = 	snop  }
0x3b: {  	_ = 	snop  }
0x3c: {  	p2 =	seq.s32 s10, $0x1;
	s10 =	sld [smem:$0x3FB7]  }
0x3d: {  	_ =	shalt  }
0x3e: {  	_ =	shalt  }
0x3f: {  	_ =	shalt  }
0x40: {  	_ =	shalt  }
0x41: {  	_ =	shalt  }
0x42: {  	_ =	shalt  }
0x43: {  	_ =	shalt  }
0x44: {  	_ =	shalt  }
0x45: {  	_ =	shalt  }
0x46: {  	_ =	shalt  }
0x47: {  	_ =	shalt  }
0x48: {  	_ =	shalt  }
0x49: {  	_ =	shalt  }
0x4a: {  	_ =	shalt  }
0x4b: {  	_ =	shalt  }
0x4c: {  	_ =	shalt  }
0x4d: {  	_ =	shalt  }
0x4e: {  	_ =	shalt  }
0x4f: {  	_ =	shalt  }
0x50: {  	_ =	shalt  }
0x51: {  	_ =	shalt  }
0x52: {  	_ =	shalt  }
0x53: {  	_ =	shalt  }
0x54: {  	_ =	shalt  }
0x55: {  	_ =	shalt  }
0x56: {  	_ =	shalt  }
0x57: {  	_ =	shalt  }
0x58: {  	_ =	shalt  }
0x59: {  	_ =	shalt  }
0x5a: {  	_ =	shalt  }
0x5b: {  	_ =	shalt  }
0x5c: {  	_ =	shalt  }
0x5d: {  	_ =	shalt  }
0x5e: {  	_ =	shalt  }
0x5f: {  	_ =	shalt  }
0x60: {  	_ =	shalt  }
0x61: {  	_ =	shalt  }
0x62: {  	_ =	shalt  }
0x63: {  	_ =	shalt  }
0x64: {  	_ =	shalt  }
0x65: {  	_ =	shalt  }
0x66: {  	_ =	shalt  }
0x67: {  	_ =	shalt  }
0x68: {  	_ =	shalt  }
0x69: {  	_ =	shalt  }
0x6a: {  	_ =	shalt  }
0x6b: {  	_ =	shalt  }
0x6c: {  	_ =	shalt  }
0x6d: {  	_ =	shalt  }
0x6e: {  	_ =	shalt  }
0x6f: {  	_ =	shalt  }
0x70: {  	_ =	shalt  }
0x71: {  	_ =	shalt  }
0x72: {  	_ =	shalt  }
0x73: {  	_ =	shalt  }
0x74: {  	_ =	shalt  }
0x75: {  	_ =	shalt  }
0x76: {  	_ =	shalt  }
0x77: {  	_ =	shalt  }
0x78: {  	_ =	shalt  }
0x79: {  	_ =	shalt  }
0x7a: {  	_ =	shalt  }
0x7b: {  	_ =	shalt  }
0x7c: {  	_ =	shalt  }
0x7d: {  	_ =	shalt  }
0x7e: {  	_ =	shalt  }
0x7f: {  	_ =	shalt  }
0x80: {  	_ =	shalt  }
0x81: {  	_ =	shalt  }
0x82: {  	_ =	shalt  }
0x83: {  	_ =	shalt  }
0x84: {  	_ =	shalt  }
0x85: {  	_ =	shalt  }
0x86: {  	_ =	shalt  }
0x87: {  	_ =	shalt  }
.Lfunc_end0:
.L_simem_size_0:
called_computation_lowered:
.L_overlay_start_0:
0x88: {  	s2 =	sld [smem:$0x3FD9]  }
0x89: {  	s3 =	sld [smem:$0x3FFE];
	_ =	sdelay $0x1  }
0x8a: {  	s1 =	srdreg.scid  }
0x8b: {  	s0 =	sand.u32 $0x1, s1  }
0x8c: {  	s17 =	sshll.u32 s0, $0xA;
	s2 =	sadd.s32 s3, s2  }
0x8d: {  	s2 =	sadd.s32 s2, s17  }
0x8e: {  	[smem:$0x3FC3] =	sst s2  }
0x8f: {  	_ = 	snop  }
0x90: {  	s2 =	sld [smem:$0x3FD0];
	(tm) =	ssettm $0x1  }
0x91: {  	s18 =	sld [smem:$0x3FFB];
	_ =	sdelay $0x3  }
0x92: {  	_ =	strace s18  }
0x93: {  	s3 =	sld [smem:$0x3FFC];
	_ =	sdelay $0x3  }
0x94: {  	_ =	strace s3  }
0x95: {  	s3 =	sld [smem:$0x3FFD];
	_ =	sdelay $0x3  }
0x96: {  	_ =	strace s3  }
0x97: {  	_ =	strace $0x8FFFFFFF  }
0x98: {  	s19 =	sld [smem:$0x3FDB];
	_ =	sdelay $0x1  }
0x99: {  	s4 =	simm.s32 $_scs_section_size  }
0x9a: {  	s5 =	simm.s32 $_size__tile_overlayer_lowered;
	s6 =	simm.s32 $_tile_overlayer_lowered  }
0x9b: {  	s22 =	simm.s32 $0x1BFF;
	s21 =	sshll.u32 s6, $0x1;
	s3 =	sadd.s32 s4, s19  }
0x9c: {  	s7 =	simm.s32 $0x0;
	s20 =	sshll.u32 s5, $0x1;
	s5 =	sadd.s32 s21, s3  }
0x9d: {  	[timem:s7], [sflag:s22] =	dma.local [hbm:s5], s20  }
0x9e: {  	_ =	swait.ge [sflag:s22], s20  }
0x9f: {  	s4 =	ssub.s32 $0x0, s20;
	[sflag:s22] =	ssyncset.done $0x0  }
0xa0: {  	[sflag:s22] =	ssyncadd.s32 s4;
	_ =	sdelay $0x1  }
0xa1: {  	s23 =	simm.s32 $0x1B8B  }
0xa2: {  	_ =	swait.ge [sflag:s23], $0x1  }
0xa3: {  	[sflag:s23] =	ssyncset.done $0x0  }
0xa4: {  	s25 =	simm.s32 $0x1B8E;
	s24 =	sld [smem:$0x3FFE];
	[sflag:s23] =	ssyncadd.s32 $0xFFFFFFFF  }
0xa5: {  	s26 =	simm.s32 $execute0_lowered;
	[smem:$0x3FD2] =	sst s25  }
0xa6: {  	s5 =	sshll.u32 s26, $0x1;
	_ =	strace $0x80000046;
	[dreg:$0x1] =	wrdreg $0xFFFFFFFF  }
0xa7: {  	s28 =	simm.s32 $_size_execute0_lowered;
	s3 =	sadd.s32 s3, s5;
	[dreg:$0x0] =	wrdreg $0x0  }
0xa8: {  	s5 =	sshll.u32 s28, $0x1;
	[dreg:$0x2] =	wrdreg s3  }
0xa9: {  	[dreg:$0x3] =	wrdreg s5  }
0xaa: {  	[dreg:$0x4] =	wrdreg $0xC0  }
0xab: {  	_ =	task [dreg:s7], $0x5FFFF  }
0xac: {  	[dreg:$0x1] =	wrdreg $0xFFFFFFFF  }
0xad: {  	[dreg:$0x0] =	wrdreg $0x60  }
0xae: {  	[dreg:$0x2] =	wrdreg s2  }
0xaf: {  	[dreg:$0x3] =	wrdreg s24  }
0xb0: {  	[dreg:$0x4] =	wrdreg $0x9  }
0xb1: {  	_ =	task.clear_ibuf [dreg:s7], $0x5FFFF;
	_ =	strace $0x90000046  }
0xb2: {  	s29 =	simm.s32 $0x9;
	_ =	strace $0x80000048  }
0xb3: {  	_ =	swait.ge [sflag:s29], $0x1  }
0xb4: {  	[sflag:s29] =	ssyncadd.s32 $0xFFFFFFFF  }
0xb5: {  	_ =	strace $0x90000048  }
0xb6: {  	_ =	sfence  }
0xb7: {  	s30 =	sld [smem:$0x0];
	_ =	sdelay $0x2  }
0xb8: {  	s31 =	sshll.u32 s1, $0xD;
	s1 =	sshrl.u32 s1, $0x2  }
0xb9: {  	s3 =	sand.u32 $0x4000, s31;
	s1 =	sadd.s32 s1, s30  }
0xba: {  	s0 =	sor.u32 s3, s0;
	s1 =	sshll.u32 s1, $0x11  }
0xbb: {  	s0 =	sor.u32 s1, s0  }
0xbc: {  	s0 =	sadd.s32 $0x8F2B, s0  }
0xbd: {  	[sflag:s0] =	ssyncadd.remote.s32 $0x1  }
0xbe: {  	_ =	sfence.sel $0xFFFF  }
0xbf: {  	[dreg:$0x0] =	wrdreg $0xFFFFFFFF;
	(pc) =	sbr.abs _section_cstart, $3  }
0xc0: {  	[dreg:$0x1] =	wrdreg $0xFFFFFFFF  }
0xc1: {  	_ =	task.clear_ibuf [dreg:s7], $0x2FFFF;
	_ =	strace $0x9FFFFFFF  }
0xc2: {  	(tm) =	ssettm $0x7FFFFFFF  }
0xc3: {  	_ =	shalt  }
tec
execute0_lowered:
.L_overlay_start_1:
0x0: {  	(tag) =	ssettag $0x1  }
0x1: {  	s3 =	rddreg [dreg:$0x0]  }
0x2: {  	s4 =	rddreg [dreg:$0x1]  }
0x3: {  	s0 =	rddreg [dreg:$0x2]  }
0x4: {  	s5 =	srdreg.scid;
	s1 =	stileid.u32  }
0x5: {  	s2 =	simm.s32 $0x0;
	s5 =	sand.u32 $0x1, s5;
	s6 =	sshll.u32 s1, $0x1  }
0x6: {  	[smem:$0x7FF] =	sst s2;
	s6 =	sor.u32 s5, s6  }
0x7: {  	_ =	strace $0x80000047;
	s5 =	ssub.s32 $0x2, s5;
	s7 =	sshll.u32 s6, $0x6  }
0x8: {  	s31 =	sshrl.u32 s5, $0x1;
	s6 =	sshll.u32 s6, $0x8;
	s4 =	sadd.s32 s7, s4  }
0x9: {  	s5 =	ssub.s32 s5, s31;
	s3 =	sadd.s32 s3, s6;
	s6 =	simm.s32 $0x1  }
0xa: {  	v31 =	vimm.s32 $0x3;
	s7 =	simm.s32 $0x800;
	s4 =	sadd.s32 $0xA00, s4;
	s5 =	smax.u32 s5, $0x1  }
.LBB2_1:
0xb: {  	[tilespmem:s2], [sflag:$0x1] =	stream.linear.gather [hbm4b:s3+s2], $0x800, $0x38;
	[tilespmem:$0xA00] =	vst v63  }
0xc: {  	_ =	swait.ge [sflag:s6], $0x800  }
0xd: {  	[sflag:s6] =	ssyncset.done $0x0  }
0xe: {  	[sflag:s6] =	ssyncadd.s32 $0xFFFFF800  }
0xf: {  	v1 =	vld [tilespmem:$0x0]  }
0x10: {  	v2 =	vld [tilespmem:$0x80]  }
0x11: {  	v3 =	vld [tilespmem:$0x100]  }
0x12: {  	v4 =	vld [tilespmem:$0x180]  }
0x13: {  	v5 =	vld [tilespmem:$0x200]  }
0x14: {  	v7 =	vld [tilespmem:$0x280]  }
0x15: {  	v6 =	vmax.f32 v1, v2  }
0x16: {  	v1 =	vsub.f32 v1, v6  }
0x17: {  	v2 =	vsub.f32 v2, v6  }
0x18: {  	v1 =	vmul.f32 $1.442695020e+00, v1  }
0x19: {  	v60 =	vmax.f32 v3, v4;
	v61 =	vmax.f32 v5, v7;
	v2 =	vmul.f32 $1.442695020e+00, v2  }
0x1a: {  	(erf) = vpow2.f32 v1;
	v1 =	vmax.f32 v60, v61  }
0x1b: {  	(erf) = vpow2.f32 v2;
	vm0 =	veq.f32 v5, v1  }
0x1c: {  	vm1 =	veq.f32 v4, v1;
	v62 =	vsel vm0, $0x2, v31  }
0x1d: {  	vm14 =	vne.f32 v3, v1;
	v2 =	vsel vm1, $0x1, v62  }
0x1e: {  	v2 =	vnsel vm14, $0x0, v2  }
0x1f: {  	v22 =	vld [tilespmem:$0x300];
	vm13 =	veq.s32 v2, $0x2;
	vm12 =	veq.s32 v2, $0x3  }
0x20: {  	v23 =	vld [tilespmem:$0x380];
	vm15 =	vmand vm14, vm1;
	v11 =	vsel vm13, $0xF149F2CA, v5;
	v24 =	vsel vm12, $0xF149F2CA, v7  }
0x21: {  	v25 =	vld [tilespmem:$0x400];
	v63 =	vnsel vm14, $0xF149F2CA, v3;
	v10 =	vsel vm15, $0xF149F2CA, v4;
	v4 =	vmax.f32 v11, v24  }
0x22: {  	v9 =	vld [tilespmem:$0x480];
	v8 =	vmax.f32 v63, v10  }
0x23: {  	v12 =	vmax.f32 v8, v4;
	v5 =	vpop (erf)  }
0x24: {  	v1 =	vsub.f32 v12, v1;
	v4 =	vpop (erf)  }
0x25: {  	v26 =	vadd.f32 v4, v5  }
0x26: {  	v1 =	vmul.f32 $1.442695020e+00, v1  }
0x27: {  	v27 =	vmax.f32 v22, v23;
	v13 =	vmax.f32 v25, v9;
	(erf) = vrcp.f32 v26  }
0x28: {  	v32 =	vmax.f32 v27, v13;
	(erf) = vpow2.f32 v1  }
0x29: {  	vm4 =	veq.f32 v25, v32  }
0x2a: {  	vm5 =	veq.f32 v23, v32;
	v33 =	vsel vm4, $0x2, v31  }
0x2b: {  	vm8 =	vne.f32 v22, v32;
	v8 =	vsel vm5, $0x1, v33  }
0x2c: {  	v13 =	vnsel vm8, $0xF149F2CA, v22;
	v8 =	vnsel vm8, $0x0, v8  }
0x2d: {  	vm6 =	vmand vm8, vm5;
	vm5 =	veq.s32 v8, $0x2;
	vm4 =	veq.s32 v8, $0x3  }
0x2e: {  	v14 =	vsel vm6, $0xF149F2CA, v23;
	v7 =	vsel vm5, $0xF149F2CA, v25;
	v34 =	vsel vm4, $0xF149F2CA, v9  }
0x2f: {  	v3 =	vmax.f32 v13, v14;
	v2 =	vmax.f32 v7, v34  }
0x30: {  	v15 =	vmax.f32 v3, v2;
	v8 =	vpop (erf)  }
0x31: {  	v1 =	vsub.f32 v15, v32;
	v16 =	vpop (erf)  }
0x32: {  	v35 =	vadd.f32 $1.000000000e+00, v16  }
0x33: {  	v1 =	vmul.f32 $1.442695020e+00, v1  }
0x34: {  	(erf) = vrcp.f32 v35  }
0x35: {  	(erf) = vpow2.f32 v1;
	_ =	sdelay $0x1  }
0x36: {  	v36 =	vld [tilespmem:$0x10]  }
0x37: {  	v37 =	vld [tilespmem:$0x90];
	_ =	sdelay $0x1  }
0x38: {  	v38 =	vld [tilespmem:$0x110]  }
0x39: {  	v17 =	vld [tilespmem:$0x190]  }
0x3a: {  	v18 =	vld [tilespmem:$0x210]  }
0x3b: {  	v20 =	vld [tilespmem:$0x290];
	v39 =	vmax.f32 v36, v37;
	v19 =	vpop (erf)  }
0x3c: {  	v1 =	vsub.f32 v36, v39;
	v21 =	vpop (erf)  }
0x3d: {  	v2 =	vsub.f32 v37, v39;
	v22 =	vadd.f32 $1.000000000e+00, v21  }
0x3e: {  	v1 =	vmul.f32 $1.442695020e+00, v1  }
0x3f: {  	v2 =	vmul.f32 $1.442695020e+00, v2;
	(erf) = vrcp.f32 v22  }
0x40: {  	v40 =	vmax.f32 v38, v17;
	v41 =	vmax.f32 v18, v20;
	(erf) = vpow2.f32 v1  }
0x41: {  	v42 =	vmax.f32 v40, v41;
	(erf) = vpow2.f32 v2  }
0x42: {  	vm7 =	veq.f32 v18, v42  }
0x43: {  	vm2 =	veq.f32 v17, v42;
	vm10 =	vne.f32 v38, v42;
	v43 =	vsel vm7, $0x2, v31  }
0x44: {  	vm11 =	vmand vm10, vm2;
	v1 =	vsel vm2, $0x1, v43  }
0x45: {  	v0 =	vimm.s32 $0x0;
	v44 =	vld [tilespmem:$0x310];
	v17 =	vsel vm11, $0xF149F2CA, v17;
	v1 =	vnsel vm10, $0x0, v1  }
0x46: {  	v45 =	vld [tilespmem:$0x410];
	v0 =	vsel vm4, $0xFFFFFFFF, v0;
	vm4 =	veq.s32 v1, $0x2;
	vm2 =	veq.s32 v1, $0x3  }
0x47: {  	v27 =	vld [tilespmem:$0x490];
	v9 =	vnsel vm10, $0xF149F2CA, v38;
	v18 =	vsel vm4, $0xF149F2CA, v18;
	v1 =	vsel vm2, $0xF149F2CA, v20  }
0x48: {  	v23 =	vld [tilespmem:$0x390];
	v46 =	vmax.f32 v9, v17;
	v25 =	vmax.f32 v18, v1;
	v24 =	vpop (erf)  }
0x49: {  	v35 =	vmax.f32 v46, v25;
	v47 =	vpop (erf)  }
0x4a: {  	v22 =	vsub.f32 v35, v42;
	v2 =	vpop (erf)  }
0x4b: {  	v48 =	vadd.f32 v2, v47  }
0x4c: {  	v22 =	vmul.f32 $1.442695020e+00, v22  }
0x4d: {  	v49 =	vmax.f32 v44, v23;
	v26 =	vmax.f32 v45, v27;
	(erf) = vrcp.f32 v48  }
0x4e: {  	v50 =	vmax.f32 v49, v26;
	(erf) = vpow2.f32 v22  }
0x4f: {  	vm9 =	veq.f32 v45, v50  }
0x50: {  	vm3 =	veq.f32 v23, v50;
	v51 =	vsel vm9, $0x2, v31  }
0x51: {  	vm7 =	vne.f32 v44, v50;
	v25 =	vsel vm3, $0x1, v51  }
0x52: {  	vm9 =	vmand vm7, vm3;
	v52 =	vnsel vm7, $0x0, v25  }
0x53: {  	v26 =	vsel vm9, $0xF149F2CA, v23;
	vm3 =	veq.s32 v52, $0x2;
	vm0 =	veq.s32 v52, $0x3  }
0x54: {  	v25 =	vnsel vm7, $0xF149F2CA, v44;
	v29 =	vsel vm3, $0xF149F2CA, v45;
	v54 =	vsel vm0, $0xF149F2CA, v27  }
0x55: {  	v55 =	vmax.f32 v25, v26;
	v56 =	vmax.f32 v29, v54  }
0x56: {  	v53 =	vimm.s32 $0x0;
	v58 =	vld [tilespmem:$0x20];
	v28 =	vmax.f32 v55, v56;
	v3 =	vpop (erf)  }
0x57: {  	v59 =	vld [tilespmem:$0xA0];
	vm1 =	veq.f32 v10, v12;
	v60 =	vmul.f32 v19, v16;
	v22 =	vsub.f32 v28, v50;
	v20 =	vpop (erf)  }
0x58: {  	v30 =	vsel vm14, $0x0, v19;
	v34 =	vnsel vm15, $0x0, v19;
	v57 =	vadd.f32 $1.000000000e+00, v20  }
0x59: {  	v61 =	vld [tilespmem:$0x120];
	v32 =	vnsel vm13, $0x0, v19;
	vm13 =	veq.f32 v14, v15;
	v22 =	vmul.f32 $1.442695020e+00, v22  }
0x5a: {  	v62 =	vld [tilespmem:$0x1A0];
	[tilespmem:$0x1FFD0] =	vst v0;
	v0 =	vsel vm0, $0xFFFFFFFF, v53;
	vm0 =	veq.f32 v11, v12;
	(erf) = vrcp.f32 v57  }
0x5b: {  	v11 =	vsel vm0, $0x2, v31;
	vm0 =	vne.f32 v63, v12;
	(erf) = vpow2.f32 v22  }
0x5c: {  	v39 =	vld [tilespmem:$0x2A0];
	[tilespmem:$0x1FFE0] =	vst v0;
	v0 =	vnsel vm12, $0x0, v19;
	v19 =	vmax.f32 v58, v59;
	v49 =	vmul.f32 v24, v21  }
0x5d: {  	v53 =	vld [tilespmem:$0x320];
	v16 =	vnsel vm6, $0x0, v24;
	v10 =	vsel vm1, $0x1, v11;
	v36 =	vsel vm0, $0x0, v60  }
0x5e: {  	v63 =	vld [tilespmem:$0x220];
	v44 =	vsub.f32 v58, v19;
	v6 =	vnsel vm0, $0x0, v10;
	vm0 =	vmand vm0, vm1  }
0x5f: {  	v54 =	vld [tilespmem:$0x3A0];
	[tilespmem:$0x1FFF0] =	vst v47;
	vm1 =	veq.f32 v7, v15;
	v47 =	vmax.f32 v61, v62;
	v10 =	vnsel vm5, $0x0, v24  }
0x60: {  	vm14 =	veq.s32 v6, $0x2;
	v37 =	vnsel vm0, $0x0, v60;
	vm15 =	veq.s32 v6, $0x3  }
0x61: {  	v58 =	vld [tilespmem:$0x1FFD0];
	vm0 =	vne.f32 v13, v15;
	v6 =	vsub.f32 v59, v19;
	v46 =	vsel vm1, $0x2, v31  }
0x62: {  	v11 =	vmul.f32 $1.442695020e+00, v44;
	v19 =	vsel vm8, $0x0, v24;
	v33 =	vnsel vm14, $0x0, v60  }
0x63: {  	v40 =	vnsel vm15, $0x0, v60;
	v13 =	vsel vm13, $0x1, v46;
	v6 =	vmul.f32 $1.442695020e+00, v6;
	v38 =	vpop (erf)  }
0x64: {  	v55 =	vld [tilespmem:$0x420];
	v48 =	vmax.f32 v63, v39;
	v51 =	vnsel vm0, $0x0, v13;
	v60 =	vmax.f32 v53, v54;
	v41 =	vpop (erf)  }
0x65: {  	v46 =	vld [tilespmem:$0x4A0];
	v40 =	vadd.f32 v40, v0;
	v50 =	vmax.f32 v47, v48;
	v45 =	vadd.f32 $1.000000000e+00, v41  }
0x66: {  	vm14 =	veq.s32 v51, $0x2;
	vm15 =	veq.s32 v51, $0x3;
	vm5 =	vnez.u8 v58  }
0x67: {  	vm12 =	veq.f32 v63, v50;
	vm8 =	veq.f32 v62, v50;
	(erf) = vrcp.f32 v45  }
0x68: {  	v12 =	vnsel vm5, $0x0, v24;
	v13 =	vnsel vm15, $0x0, v49;
	(erf) = vpow2.f32 v11  }
0x69: {  	v52 =	vsel vm12, $0x2, v31;
	vm12 =	vne.f32 v61, v50;
	(erf) = vpow2.f32 v6  }
0x6a: {  	v42 =	vnsel vm12, $0xF149F2CA, v61;
	v61 =	vmax.f32 v55, v46;
	v22 =	vsel vm0, $0x0, v49  }
0x6b: {  	vm0 =	vmand vm0, vm13;
	vm13 =	vmand vm12, vm8;
	v6 =	vsel vm8, $0x1, v52  }
0x6c: {  	v2 =	vmul.f32 v3, v2;
	v43 =	vsel vm13, $0xF149F2CA, v62;
	v6 =	vnsel vm12, $0x0, v6  }
0x6d: {  	v27 =	vnsel vm0, $0x0, v49;
	vm0 =	veq.f32 v17, v35;
	vm6 =	veq.s32 v6, $0x3  }
0x6e: {  	v62 =	vmax.f32 v60, v61;
	vm8 =	veq.s32 v6, $0x2;
	v6 =	vsel vm6, $0xF149F2CA, v39  }
0x6f: {  	v22 =	vadd.f32 v22, v19;
	v56 =	vmax.f32 v42, v43;
	v44 =	vsel vm8, $0xF149F2CA, v63  }
0x70: {  	vm1 =	veq.f32 v55, v62;
	vm15 =	veq.f32 v54, v62;
	v57 =	vmax.f32 v44, v6;
	v45 =	vpop (erf)  }
0x71: {  	v16 =	vadd.f32 v27, v16;
	v1 =	vmul.f32 v38, v20;
	v47 =	vmax.f32 v56, v57;
	v6 =	vpop (erf)  }
0x72: {  	v14 =	vsel vm10, $0x0, v38;
	vm10 =	vne.f32 v53, v62;
	v15 =	vsub.f32 v47, v50;
	v7 =	vpop (erf)  }
0x73: {  	v20 =	vnsel vm4, $0x0, v38;
	v21 =	vnsel vm2, $0x0, v38;
	v59 =	vadd.f32 v7, v6  }
0x74: {  	v11 =	vnsel vm14, $0x0, v49;
	vm14 =	veq.f32 v18, v35;
	v15 =	vmul.f32 $1.442695020e+00, v15  }
0x75: {  	v48 =	vnsel vm10, $0xF149F2CA, v53;
	v18 =	vsel vm14, $0x2, v31;
	(erf) = vrcp.f32 v59  }
0x76: {  	vm14 =	vne.f32 v9, v35;
	v35 =	vmul.f32 v8, v5;
	(erf) = vpow2.f32 v15  }
0x77: {  	v10 =	vadd.f32 v11, v10;
	v63 =	vsel vm0, $0x1, v18;
	v56 =	vsel vm1, $0x2, v31  }
0x78: {  	vm0 =	vmand vm14, vm0;
	v58 =	vnsel vm14, $0x0, v63;
	v57 =	vsel vm15, $0x1, v56  }
0x79: {  	v18 =	vnsel vm0, $0x0, v1;
	vm4 =	veq.s32 v58, $0x3;
	v17 =	vnsel vm10, $0x0, v57  }
0x7a: {  	v57 =	vadd.f32 v37, v34;
	v34 =	vmul.f32 v8, v4;
	vm5 =	veq.s32 v17, $0x2  }
0x7b: {  	vm1 =	veq.s32 v17, $0x3;
	v15 =	vnsel vm11, $0x0, v38;
	vm11 =	vmand vm10, vm15  }
0x7c: {  	v39 =	vsel vm5, $0xF149F2CA, v55;
	v17 =	vsel vm1, $0xF149F2CA, v46;
	v49 =	vsel vm11, $0xF149F2CA, v54  }
0x7d: {  	v5 =	vsel vm7, $0x0, v45;
	v60 =	vmax.f32 v39, v17;
	v59 =	vmax.f32 v48, v49  }
0x7e: {  	v63 =	vmul.f32 v45, v41;
	v8 =	vmul.f32 v57, v35;
	v50 =	vmax.f32 v59, v60;
	v9 =	vpop (erf)  }
0x7f: {  	v16 =	vmul.f32 v16, v34;
	v10 =	vmul.f32 v10, v34;
	v24 =	vsub.f32 v50, v62;
	v51 =	vpop (erf)  }
0x80: {  	v17 =	vsel vm14, $0x0, v1;
	vm14 =	veq.f32 v29, v28;
	v52 =	vadd.f32 $1.000000000e+00, v51  }
0x81: {  	v29 =	vsel vm14, $0x2, v31;
	vm15 =	veq.s32 v58, $0x2;
	v61 =	vmul.f32 $1.442695020e+00, v24  }
0x82: {  	v14 =	vadd.f32 v17, v14;
	v23 =	vnsel vm15, $0x0, v1;
	(erf) = vrcp.f32 v52  }
0x83: {  	v4 =	vld [tilespmem:$0x130];
	vm15 =	veq.f32 v26, v28;
	v26 =	vnsel vm9, $0x0, v45;
	(erf) = vpow2.f32 v61  }
0x84: {  	v15 =	vadd.f32 v18, v15;
	v60 =	vld [tilespmem:$0x1B0];
	v62 =	vsel vm15, $0x1, v29;
	v24 =	vnsel vm4, $0x0, v1  }
0x85: {  	v56 =	vld [tilespmem:$0x30];
	vm4 =	vne.f32 v25, v28;
	v28 =	vadd.f32 v36, v30;
	v36 =	vadd.f32 v33, v32  }
0x86: {  	v59 =	vld [tilespmem:$0xB0];
	v58 =	vnsel vm4, $0x0, v62;
	v25 =	vsel vm4, $0x0, v63;
	vm0 =	vmand vm4, vm15  }
0x87: {  	v62 =	vld [tilespmem:$0x1FFE0];
	vm15 =	vne.f32 v42, v47;
	v29 =	vnsel vm0, $0x0, v63;
	v30 =	vmul.f32 v28, v35  }
0x88: {  	v28 =	vnsel vm3, $0x0, v45;
	vm7 =	veq.s32 v58, $0x2;
	vm9 =	veq.s32 v58, $0x3  }
0x89: {  	v53 =	vld [tilespmem:$0x2B0];
	v57 =	vmax.f32 v4, v60;
	v36 =	vmul.f32 v36, v35;
	v35 =	vmul.f32 v40, v35  }
0x8a: {  	v5 =	vadd.f32 v25, v5;
	v1 =	vnsel vm7, $0x0, v63;
	v33 =	vnsel vm9, $0x0, v63;
	v61 =	vld [tilespmem:$0x230]  }
0x8b: {  	v63 =	vmax.f32 v56, v59;
	vm7 =	veq.f32 v44, v47;
	vm9 =	veq.f32 v43, v47;
	v38 =	vpop (erf)  }
0x8c: {  	v6 =	vmul.f32 v9, v6;
	v41 =	vsub.f32 v56, v63;
	vm14 =	vnez.u8 v62;
	v42 =	vpop (erf)  }
0x8d: {  	v32 =	vnsel vm14, $0x0, v45;
	v45 =	vsub.f32 v59, v63;
	v54 =	vadd.f32 $1.000000000e+00, v42  }
0x8e: {  	v7 =	vmul.f32 v9, v7;
	v44 =	vsel vm7, $0x2, v31;
	v41 =	vmul.f32 $1.442695020e+00, v41  }
0x8f: {  	v45 =	vmul.f32 $1.442695020e+00, v45;
	v58 =	vmax.f32 v61, v53;
	(erf) = vrcp.f32 v54  }
0x90: {  	vm0 =	vmand vm15, vm9;
	(erf) = vpow2.f32 v41;
	v41 =	vmax.f32 v57, v58  }
0x91: {  	(erf) = vpow2.f32 v45;
	v45 =	vsel vm12, $0x0, v38;
	vm12 =	veq.f32 v61, v41  }
0x92: {  	v0 =	vmul.f32 v38, v51;
	vm14 =	veq.f32 v60, v41;
	v59 =	vsel vm12, $0x2, v31  }
0x93: {  	v1 =	vadd.f32 v1, v28;
	vm7 =	vne.f32 v4, v41;
	v51 =	vsel vm14, $0x1, v59  }
0x94: {  	v44 =	vsel vm9, $0x1, v44;
	v54 =	vnsel vm0, $0x0, v0;
	v51 =	vnsel vm7, $0x0, v51  }
0x95: {  	v56 =	vld [tilespmem:$0x330];
	vm9 =	vmand vm7, vm14;
	vm2 =	veq.s32 v51, $0x2;
	vm0 =	veq.s32 v51, $0x3  }
0x96: {  	v58 =	vld [tilespmem:$0x430];
	v51 =	vsel vm9, $0xF149F2CA, v60;
	v37 =	vsel vm2, $0xF149F2CA, v61;
	v60 =	vsel vm0, $0xF149F2CA, v53  }
0x97: {  	v5 =	vmul.f32 v5, v2;
	v55 =	vnsel vm7, $0xF149F2CA, v4;
	v53 =	vld [tilespmem:$0x3B0];
	v4 =	vmax.f32 v37, v60  }
0x98: {  	v44 =	vnsel vm15, $0x0, v44;
	v47 =	vnsel vm13, $0x0, v38;
	v61 =	vmax.f32 v55, v51;
	v60 =	vld [tilespmem:$0x4B0];
	v52 =	vpop (erf)  }
0x99: {  	v46 =	vsel vm15, $0x0, v0;
	vm15 =	veq.s32 v44, $0x2;
	v40 =	vmax.f32 v61, v4;
	v19 =	vpop (erf)  }
0x9a: {  	vm13 =	vne.f32 v48, v50;
	v27 =	vnsel vm15, $0x0, v0;
	v41 =	vsub.f32 v40, v41;
	v4 =	vpop (erf)  }
0x9b: {  	v57 =	vnsel vm8, $0x0, v38;
	vm8 =	veq.f32 v39, v50;
	v59 =	vadd.f32 v4, v19  }
0x9c: {  	v38 =	vnsel vm6, $0x0, v38;
	vm6 =	veq.s32 v44, $0x3;
	v41 =	vmul.f32 $1.442695020e+00, v41  }
0x9d: {  	v62 =	vmax.f32 v56, v53;
	v63 =	vmax.f32 v58, v60;
	(erf) = vrcp.f32 v59  }
0x9e: {  	(erf) = vpow2.f32 v41;
	v41 =	vmul.f32 v52, v42;
	v42 =	vmax.f32 v62, v63  }
0x9f: {  	v43 =	vnsel vm6, $0x0, v0;
	vm12 =	veq.f32 v49, v50;
	vm14 =	veq.f32 v58, v42  }
0xa0: {  	vm3 =	vmand vm13, vm12;
	vm15 =	veq.f32 v53, v42;
	v0 =	vsel vm14, $0x2, v31  }
0xa1: {  	v61 =	vnsel vm5, $0x0, v52;
	vm6 =	vne.f32 v56, v42;
	v59 =	vsel vm15, $0x1, v0  }
0xa2: {  	v50 =	vnsel vm3, $0x0, v41;
	v56 =	vnsel vm6, $0xF149F2CA, v56;
	v59 =	vnsel vm6, $0x0, v59  }
0xa3: {  	vm5 =	vmand vm6, vm15;
	vm4 =	veq.s32 v59, $0x2;
	vm3 =	veq.s32 v59, $0x3  }
0xa4: {  	v53 =	vsel vm5, $0xF149F2CA, v53;
	v58 =	vsel vm4, $0xF149F2CA, v58;
	v60 =	vsel vm3, $0xF149F2CA, v60  }
0xa5: {  	v39 =	vsel vm8, $0x2, v31;
	v0 =	vmax.f32 v56, v53;
	v60 =	vmax.f32 v58, v60  }
0xa6: {  	v1 =	vmul.f32 v1, v2;
	v39 =	vsel vm12, $0x1, v39;
	v62 =	vpop (erf);
	v0 =	vmax.f32 v0, v60  }
0xa7: {  	v25 =	vadd.f32 v43, v38;
	v39 =	vnsel vm13, $0x0, v39;
	v59 =	vpop (erf);
	v42 =	vsub.f32 v0, v42  }
0xa8: {  	vm12 =	veq.s32 v39, $0x2;
	v48 =	vsel vm10, $0x0, v52;
	v63 =	vadd.f32 $1.000000000e+00, v59  }
0xa9: {  	v44 =	vnsel vm11, $0x0, v52;
	v52 =	vnsel vm1, $0x0, v52;
	v42 =	vmul.f32 $1.442695020e+00, v42  }
0xaa: {  	v49 =	vsel vm13, $0x0, v41;
	vm13 =	veq.s32 v39, $0x3;
	(erf) = vrcp.f32 v63  }
0xab: {  	[tilespmem:$0x8C0] =	vst v35;
	vm14 =	veq.f32 v37, v40;
	v35 =	vadd.f32 v50, v44;
	(erf) = vpow2.f32 v42  }
0xac: {  	v39 =	vadd.f32 v29, v26;
	v37 =	vsel vm14, $0x2, v31;
	v63 =	vadd.f32 v13, v12  }
0xad: {  	[tilespmem:$0x840] =	vst v8;
	vm15 =	vne.f32 v55, v40;
	v43 =	vmul.f32 v35, v7;
	v60 =	vnsel vm12, $0x0, v41  }
0xae: {  	[tilespmem:$0x940] =	vst v16;
	v38 =	vadd.f32 v60, v61;
	v11 =	vmul.f32 v63, v34;
	v63 =	vadd.f32 v23, v20;
	v23 =	vld [tilespmem:$0x1FFF0]  }
0xaf: {  	[tilespmem:$0x980] =	vst v10;
	v4 =	vmul.f32 v62, v4;
	vm12 =	vne.f32 v56, v0;
	vm14 =	veq.f32 v58, v0  }
0xb0: {  	[tilespmem:$0x800] =	vst v30;
	v8 =	vmul.f32 v38, v7;
	v12 =	vnsel vm13, $0x0, v41;
	v13 =	vmul.f32 v22, v34  }
0xb1: {  	[tilespmem:$0x880] =	vst v36;
	vm13 =	veq.f32 v53, v0;
	v0 =	vsel vm14, $0x2, v31;
	v42 =	vadd.f32 v33, v32  }
0xb2: {  	[tilespmem:$0x910] =	vst v5;
	v34 =	vadd.f32 v24, v21;
	v20 =	vmul.f32 v39, v2;
	v24 =	vadd.f32 v27, v57  }
0xb3: {  	[tilespmem:$0x990] =	vst v1;
	v0 =	vsel vm13, $0x1, v0;
	v2 =	vmul.f32 v42, v2;
	v18 =	vmul.f32 v3, v23;
	v17 =	vpop (erf)  }
0xb4: {  	[tilespmem:$0x960] =	vst v43;
	v9 =	vmul.f32 v24, v6;
	v23 =	vadd.f32 v54, v47;
	v47 =	vmul.f32 v62, v19;
	v26 =	vpop (erf)  }
0xb5: {  	[tilespmem:$0x9A0] =	vst v8;
	v14 =	vmul.f32 v14, v18;
	v15 =	vmul.f32 v15, v18;
	v33 =	vadd.f32 $1.000000000e+00, v26  }
0xb6: {  	[tilespmem:$0x900] =	vst v13;
	v0 =	vnsel vm12, $0x0, v0;
	v41 =	vmul.f32 v63, v18;
	v3 =	vmul.f32 v34, v18  }
0xb7: {  	[tilespmem:$0x9C0] =	vst v11;
	v63 =	vadd.f32 v46, v45;
	v32 =	vmul.f32 v23, v6;
	(erf) = vrcp.f32 v33  }
0xb8: {  	[tilespmem:$0x950] =	vst v20;
	v34 =	vadd.f32 v49, v48;
	v21 =	vsel vm7, $0x0, v17;
	v55 =	vnsel vm9, $0x0, v17  }
0xb9: {  	[tilespmem:$0x9D0] =	vst v2;
	vm9 =	veq.f32 v51, v40;
	v36 =	vmul.f32 v17, v59;
	v40 =	vadd.f32 v12, v52  }
0xba: {  	[tilespmem:$0x8A0] =	vst v9;
	v48 =	vnsel vm2, $0x0, v17;
	v50 =	vnsel vm0, $0x0, v17;
	vm0 =	veq.s32 v0, $0x2  }
0xbb: {  	v27 =	vmul.f32 v63, v6;
	[tilespmem:$0x810] =	vst v14;
	v6 =	vmul.f32 v25, v6;
	v39 =	vsel vm9, $0x1, v37  }
0xbc: {  	[tilespmem:$0x890] =	vst v41;
	v10 =	vmul.f32 v34, v7;
	vm1 =	vmand vm15, vm9;
	v41 =	vnsel vm15, $0x0, v39  }
0xbd: {  	[tilespmem:$0x8D0] =	vst v3;
	v42 =	vsel vm15, $0x0, v36;
	v3 =	vmul.f32 v40, v7;
	v45 =	vnsel vm1, $0x0, v36  }
0xbe: {  	[tilespmem:$0x850] =	vst v15;
	v44 =	vadd.f32 v42, v21;
	vm10 =	veq.s32 v41, $0x2;
	vm11 =	veq.s32 v41, $0x3  }
0xbf: {  	[tilespmem:$0x860] =	vst v32;
	v46 =	vadd.f32 v45, v55;
	v49 =	vnsel vm10, $0x0, v36;
	v51 =	vnsel vm11, $0x0, v36  }
0xc0: {  	[tilespmem:$0x820] =	vst v27;
	v2 =	vadd.f32 v49, v48;
	v11 =	vadd.f32 v51, v50;
	v7 =	vmul.f32 v44, v47;
	v52 =	vpop (erf)  }
0xc1: {  	vm1 =	vmand vm12, vm13;
	[tilespmem:$0x8E0] =	vst v6;
	v1 =	vmul.f32 v46, v47;
	v55 =	vmul.f32 v52, v26  }
0xc2: {  	vm15 =	veq.s32 v0, $0x3;
	[tilespmem:$0x920] =	vst v10;
	v2 =	vmul.f32 v2, v47;
	v54 =	vmul.f32 v11, v47  }
0xc3: {  	[tilespmem:$0x9E0] =	vst v3;
	v56 =	vsel vm6, $0x0, v52;
	v58 =	vnsel vm5, $0x0, v52;
	v57 =	vsel vm12, $0x0, v55  }
0xc4: {  	[tilespmem:$0x830] =	vst v7;
	v60 =	vnsel vm4, $0x0, v52;
	v59 =	vnsel vm1, $0x0, v55;
	v5 =	vadd.f32 v57, v56  }
0xc5: {  	[tilespmem:$0x870] =	vst v1;
	v62 =	vnsel vm3, $0x0, v52;
	v61 =	vnsel vm0, $0x0, v55;
	v3 =	vadd.f32 v59, v58  }
0xc6: {  	[tilespmem:$0x8B0] =	vst v2;
	v63 =	vnsel vm15, $0x0, v55;
	v0 =	vadd.f32 v61, v60;
	v5 =	vmul.f32 v5, v4  }
0xc7: {  	[tilespmem:$0x8F0] =	vst v54;
	v1 =	vadd.f32 v63, v62;
	v3 =	vmul.f32 v3, v4  }
0xc8: {  	v0 =	vmul.f32 v0, v4;
	[tilespmem:$0x930] =	vst v5  }
0xc9: {  	v1 =	vmul.f32 v1, v4;
	[tilespmem:$0x970] =	vst v3  }
0xca: {  	p0 =	sne.s32 s5, $0x1;
	[tilespmem:$0x9B0] =	vst v0  }
.Ltmp0:
0xcb: {  	[tilespmem:$0x9F0] =	vst v1;
	(pc) =	sbr.rel @p0 .LBB2_1-.Ltmp0, $4  }
0xcc: {  	[hbm4b:s4+s2] =	stream.linear.scatter [tilespmem:s7], [sflag:$0x1], $0x200, $0x38;
	[tilespmem:$0xA00] =	vst v63  }
0xcd: {  	_ =	swait.ge [sflag:s6], $0x200  }
0xce: {  	[sflag:s6] =	ssyncset.done $0x0  }
0xcf: {  	s5 =	sadd.s32 $0xFFFFFFFF, s5;
	[sflag:s6] =	ssyncadd.s32 $0xFFFFFE00  }
0xd0: {  	_ =	sfence.sel $0x180000  }
0xd1: {  	[bflag:$0x0] =	sbarrier.arrive $0xFFFF  }
0xd2: {  	p0 =	sne.s32 s1, $0x0;
	_ =	strace $0x90000047  }
0xd3: {  	s0 =	sadd.s32 @!p0 $0x100000, s0;
	[bflag:$0x2] =	sbarrier.arrive $0xFFFF  }
0xd4: {  	[sflag:s0] =	ssyncadd.tile.s32 @!p0 $0x1;
	_ =	shalt  }
.Lfunc_end2:
_tile_overlayer_lowered:
.L_overlay_start_2:
0xd5: {  	(tag) =	ssettag $0x2  }
0xd6: {  	s0 =	rddreg [dreg:$0x0];
	s2 =	stileid.u32  }
0xd7: {  	s1 =	rddreg [dreg:$0x1];
	p0 =	sne.s32 s2, $0x0  }
0xd8: {  	s3 =	rddreg [dreg:$0x2];
	[bflag:$0x3] =	sbarrier.arrive $0xFFFF;
	s2 =	simm.s32 @!p0 $0x1C01  }
0xd9: {  	[timem:s3], [sflag:s2] =	dma.local @!p0 [hbm:s0], s1  }
0xda: {  	s0 =	simm.s32 @!p0 $0x1  }
0xdb: {  	_ =	swait.ge @!p0 [sflag:s0], s1  }
0xdc: {  	s1 =	ssub.s32 @!p0 $0x0, s1;
	[sflag:s0] =	ssyncset.done @!p0 $0x0  }
0xdd: {  	[sflag:s0] =	ssyncadd.s32 @!p0 s1  }
0xde: {  	[bflag:$0x3] =	sbarrier.arrive $0xFFFF  }
0xdf: {  	_ =	shalt  }

</sc_bundles>
